<compile_context>
chip_gen: v7x
topology: tpu7x:2x2x1
jax: 0.10.2.dev20260603
libtpu: 0.0.44.dev20260713+nightly
codegen_flags: <defaults>
</compile_context>

<pallas_src>
import functools

import numpy as np

import jax
import jax.numpy as jnp
from jax import lax
from jax.experimental import pallas as pl
from jax.experimental.pallas import tpu as pltpu
from jax.experimental.pallas import tpu_sc as plsc

N = 10000
E = 160000
D_IN = 256
D_OUT = 256
L = 16
NVEC = D_OUT // L
NPAIR = D_OUT // 32
NC, NS = 2, 16
NW = NC * NS
NPW = 320
WSZ = 344
WLAST = ((N + 1 - WSZ) // 8) * 8
PBUF = 360
CHUNK = 256
QH = 80

_MM_BLK = 1000



def _matmul_body(x_ref, w_ref, o_ref):
    y = jnp.dot(x_ref[...], w_ref[...], preferred_element_type=jnp.float32)
    lo = lax.bitcast_convert_type(
        y[:, :128].astype(jnp.bfloat16), jnp.uint16).astype(jnp.uint32)
    hi = lax.bitcast_convert_type(
        y[:, 128:].astype(jnp.bfloat16), jnp.uint16).astype(jnp.uint32)
    o_ref[...] = lo | (hi << 16)


def _matmul(x, w):
    return pl.pallas_call(
        _matmul_body,
        grid=(N // _MM_BLK,),
        in_specs=[
            pl.BlockSpec((_MM_BLK, D_IN), lambda i: (i, 0)),
            pl.BlockSpec((D_IN, D_OUT), lambda i: (0, 0)),
        ],
        out_specs=pl.BlockSpec((_MM_BLK, D_OUT // 2), lambda i: (i, 0)),
        out_shape=jax.ShapeDtypeStruct((N, D_OUT // 2), jnp.uint32),
    )(x, w)


def _sc_body(xw_hbm, ptr_hbm, edge_hbm, out_hbm, ptr_vm, idx_v, gbuf, qbuf,
             sem_g, sem_i, sem_o):
    cid = lax.axis_index("c")
    sid = lax.axis_index("s")
    w = sid * NC + cid
    n0 = pl.multiple_of(jnp.minimum(w * NPW, N - NPW), 8)
    wstart = pl.multiple_of(jnp.minimum(n0, WLAST), 8)
    off = n0 - wstart
    pltpu.sync_copy(ptr_hbm.at[pl.ds(wstart, WSZ)], ptr_vm.at[pl.ds(0, WSZ)])

    @pl.when(off > 0)
    def _():
        ptr_vm[pl.ds(off + NPW, L)] = jnp.full((L,), E, jnp.int32)

    def ptr_at(j):
        return ptr_vm[pl.ds(off + j, L)][0]

    lo = ptr_at(0)
    hi = ptr_at(NPW)
    lo8 = lo - lax.rem(lo, 8)
    nchunks = lax.div(hi - lo8 + (CHUNK - 1), CHUNK)
    nt = 2 * jnp.maximum(lax.div(nchunks + 1, 2), 1)
    zero_acc = tuple(jnp.zeros((L,), jnp.float32) for _ in range(NVEC))

    def dma_base(t):
        return pl.multiple_of(
            jnp.minimum(lo8 + t * CHUNK, E - CHUNK), 8)

    def idx_copy(t, b):
        return pltpu.make_async_copy(
            edge_hbm.at[pl.ds(dma_base(t), CHUNK)],
            idx_v.at[pl.ds(b * CHUNK, CHUNK)], sem_i.at[b])

    def gather(b):
        return pltpu.make_async_copy(
            xw_hbm.at[idx_v.at[pl.ds(b * CHUNK, CHUNK)]], gbuf.at[b],
            sem_g.at[b])

    def gather_drain(b):
        return pltpu.make_async_copy(
            xw_hbm.at[pl.ds(0, CHUNK)], gbuf.at[b], sem_g.at[b])

    idx_copy(0, 0).start()
    idx_copy(1, 1).start()
    idx_copy(0, 0).wait()
    gather(0).start()

    def accum(acc, par, bdma, p0, p1):
        def body(e, acc):
            r = e - bdma
            out = list(acc)
            for d in range(NPAIR):
                wv = gbuf[par, r, pl.ds(d * L, L)]
                lo = plsc.bitcast(wv << 16, jnp.float32)
                hi = plsc.bitcast(wv, jnp.float32)
                out[d] = out[d] + lo
                out[d + NPAIR] = out[d + NPAIR] + hi
            return tuple(out)
        return plsc.parallel_loop(p0, p1, 1, unroll=2, carry=acc)(body)

    def qflush(q, par2):
        return pltpu.make_async_copy(
            qbuf.at[par2], out_hbm.at[pl.ds(n0 + q * QH, QH)], sem_o.at[par2])

    def store_row(i, acc):
        q = lax.div(i, QH)
        par2 = lax.rem(q, 2)
        io = i - q * QH
        for d in range(NVEC):
            qbuf[par2, io, pl.ds(d * L, L)] = acc[d]

        @pl.when(io == QH - 1)
        def _():
            qflush(q, par2).start()

            @pl.when(q > 0)
            def _():
                qflush(0, 1 - par2).wait()

    def chunk_body(t, carry):
        par = lax.rem(t, 2)
        nxt = 1 - par
        idx_copy(t + 1, nxt).wait()
        gather(nxt).start()
        gather_drain(par).wait()
        idx_copy(t + 2, par).start()

        base = lo8 + t * CHUNK
        end = base + CHUNK
        bdma = dma_base(t)

        def wcond(st):
            return jnp.logical_and(st[0] < NPW, ptr_at(st[0] + 1) <= end)

        def wbody(st):
            i = st[0]
            p0 = jnp.maximum(ptr_at(i), base)
            p1 = ptr_at(i + 1)
            acc = accum(st[1:], par, bdma, p0, p1)
            store_row(i, acc)
            return (i + 1,) + zero_acc

        st = lax.while_loop(wcond, wbody, carry)
        i = st[0]
        ic = jnp.minimum(i, NPW - 1)
        p0 = jnp.maximum(ptr_at(ic), base)
        p1 = jnp.where(i < NPW, jnp.minimum(ptr_at(ic + 1), end), p0)
        p0 = jnp.minimum(p0, p1)
        acc = accum(st[1:], par, bdma, p0, p1)
        return (i,) + acc

    st = lax.fori_loop(0, nt, chunk_body, (jnp.int32(0),) + zero_acc)

    gather_drain(0).wait()
    idx_copy(0, 1).wait()

    def fcond(st):
        return st[0] < NPW

    def fbody(st):
        store_row(st[0], st[1:])
        return (st[0] + 1,) + zero_acc

    lax.while_loop(fcond, fbody, st)
    qflush(0, 1).wait()


@jax.jit
def _sc_gnn(xw, ptr_pad, edge_pad):
    kern = pl.kernel(
        _sc_body,
        out_type=jax.ShapeDtypeStruct((N, D_OUT), jnp.float32),
        mesh=plsc.VectorSubcoreMesh(core_axis_name="c", subcore_axis_name="s"),
        compiler_params=pltpu.CompilerParams(needs_layout_passes=False),
        scratch_types=[
            pltpu.VMEM((PBUF,), jnp.int32),
            pltpu.VMEM((2 * CHUNK,), jnp.int32),
            pltpu.VMEM((2, CHUNK, D_OUT // 2), jnp.uint32),
            pltpu.VMEM((2, QH, D_OUT), jnp.float32),
            pltpu.SemaphoreType.DMA((2,)),
            pltpu.SemaphoreType.DMA((2,)),
            pltpu.SemaphoreType.DMA((2,)),
        ],
    )
    return kern(xw, ptr_pad, edge_pad)


def kernel(X, nodePointer, edgeList, blockPartition, edgeToColumn, edgeToRow,
           adj_coo, block_num, g_nodes, weights):
    XW = _matmul(X, weights)
    return _sc_gnn(XW, nodePointer, edgeList)

# --- scband reference (transcript-rebuilt; emitter-appended) ---
"""Pipeline reference for scband-gcnconv-50757923504131 (READ-ONLY COPY).

The authoritative reference and input builder live on the scoring server;
editing this copy changes nothing except your own understanding.
"""

import jax, jax.numpy as jnp
import numpy as np

N = 10000
E = 160000
D_IN = 256
D_OUT = 256
BLK = 625


def setup_inputs(seed: int = 0) -> dict:
    key = jax.random.key(seed)
    k1, k2, k3, k4, k5, k6, k7, k8 = jax.random.split(key, 8)
    X = jax.random.normal(k1, (N, D_IN), dtype=jnp.float32)
    # CSR row pointers: sorted, anchored so ptr[0]=0 and ptr[-1]=E
    nodePointer = jnp.sort(jax.random.randint(k2, (N + 1,), 0, E, dtype=jnp.int32))
    nodePointer = nodePointer.at[0].set(0).at[-1].set(E)
    edgeList = jax.random.randint(k3, (E,), 0, N, dtype=jnp.int32)
    blockPartition = jax.random.randint(k4, (BLK,), 0, 32, dtype=jnp.int32)
    edgeToColumn = jax.random.randint(k5, (E,), 0, 16, dtype=jnp.int32)
    edgeToRow = jax.random.randint(k6, (E,), 0, 16, dtype=jnp.int32)
    adj_coo = jax.random.randint(k7, (2, E), 0, N, dtype=jnp.int32)
    block_num = jnp.array([BLK], dtype=jnp.int32)
    g_nodes = jnp.array([N], dtype=jnp.int32)
    # Xavier-uniform weights per torch.nn.init.xavier_uniform_
    a = float(np.sqrt(6.0 / (D_IN + D_OUT)))
    weights = jax.random.uniform(k8, (D_IN, D_OUT), dtype=jnp.float32, minval=-a, maxval=a)
    return {
        "X": X,
        "nodePointer": nodePointer,
        "edgeList": edgeList,
        "blockPartition": blockPartition,
        "edgeToColumn": edgeToColumn,
        "edgeToRow": edgeToRow,
        "adj_coo": adj_coo,
        "block_num": block_num,
        "g_nodes": g_nodes,
        "weights": weights,
    }


def reference(X, nodePointer, edgeList, blockPartition, edgeToColumn, edgeToRow, adj_coo, block_num, g_nodes, weights):
    # GCNConv forward: XW = X @ W, then AXW = A @ XW where the unweighted
    # adjacency A is given in CSR form by (nodePointer, edgeList). The
    # blockPartition / edgeToColumn / edgeToRow / block_num metadata only
    # drive the fused TC-GNN kernel tiling and do not change the math.
    XW = jnp.dot(X, weights)
    # recover the destination row of each edge from CSR row pointers
    e_ids = jnp.arange(E, dtype=nodePointer.dtype)
    rows = jnp.searchsorted(nodePointer, e_ids, side="right") - 1
    rows = jnp.clip(rows, 0, N - 1)
    gathered = jnp.take(XW, edgeList, axis=0)  # [E, D_OUT]
    AXW = jax.ops.segment_sum(gathered, rows, num_segments=N)
    return AXW

if __name__ == "__main__":
    import jax
    _d = setup_inputs()
    print(jax.jit(kernel)(*tuple(_d.values())))

</pallas_src>

<mosaic_0001>
#map = affine_map<(d0, d1) -> (0, 0)>
#map1 = affine_map<(d0, d1) -> (0)>
module attributes {stable_mosaic.version = 14 : i64} {
  func.func @_sc_body(%arg0: i32, %arg1: i32, %arg2: memref<10000x128xi32, #tpu.memory_space<hbm>>, %arg3: memref<10001xi32, #tpu.memory_space<hbm>>, %arg4: memref<160000xi32, #tpu.memory_space<hbm>>, %arg5: memref<10000x256xf32, #tpu.memory_space<hbm>>, %arg6: memref<360xi32, #tpu.memory_space<vmem>>, %arg7: memref<512xi32, #tpu.memory_space<vmem>>, %arg8: memref<2x256x128xi32, #tpu.memory_space<vmem>>, %arg9: memref<2x80x256xf32, #tpu.memory_space<vmem>>, %arg10: memref<2x!tpu.dma_semaphore, #tpu.memory_space<semaphore_mem>>, %arg11: memref<2x!tpu.dma_semaphore, #tpu.memory_space<semaphore_mem>>, %arg12: memref<2x!tpu.dma_semaphore, #tpu.memory_space<semaphore_mem>>) attributes {dimension_semantics = [#tpu.dimension_semantics<core_parallel>, #tpu.dimension_semantics<subcore_parallel>], iteration_bounds = array<i64: 2, 16>, scalar_prefetch = 0 : i64, scratch_operands = 7 : i64, tpu.core_type = #tpu.core_type<sc_vector_subcore>, window_params = [{transform_indices = #map}, {transform_indices = #map1}, {transform_indices = #map1}, {transform_indices = #map}]} {
    %mul3A = arith.constant 2 : i32
    %mul3A_0 = arith.muli %arg1, %mul3A : i32
    %add3A = arith.addi %mul3A_0, %arg0 : i32
    %mul3A_1 = arith.constant 320 : i32
    %mul3A_2 = arith.muli %add3A, %mul3A_1 : i32
    %min3A = arith.constant 9680 : i32
    %min3A_3 = arith.minsi %mul3A_2, %min3A : i32
    %multiple_of3A = tpu.assume_multiple %min3A_3, 8 : i32
    %min3A_4 = arith.constant 9656 : i32
    %min3A_5 = arith.minsi %multiple_of3A, %min3A_4 : i32
    %multiple_of3A_6 = tpu.assume_multiple %min3A_5, 8 : i32
    %sub3A = arith.subi %multiple_of3A, %multiple_of3A_6 : i32
    "tpu.region"() ({
      %run_scoped3A = tpu.sem_alloc : memref<!tpu.dma_semaphore, #tpu.memory_space<semaphore_mem>>
      %dma_start3A_177 = arith.constant 0 : i32
      %dma_start3A_178 = tpu.memref_slice %arg6[%dma_start3A_177] : memref<360xi32, #tpu.memory_space<vmem>> -> memref<344xi32, #tpu.memory_space<vmem>>
      %dma_start3A_179 = tpu.memref_slice %arg3[%multiple_of3A_6] : memref<10001xi32, #tpu.memory_space<hbm>> -> memref<344xi32, #tpu.memory_space<hbm>>
      %dma_start3A_180 = arith.constant 0 : i32
      %dma_start3A_181 = tpu.memref_slice %arg6[%dma_start3A_180] : memref<360xi32, #tpu.memory_space<vmem>> -> memref<344xi32, #tpu.memory_space<vmem>>
      %dma_start3A_182 = tpu.memref_slice %arg3[%multiple_of3A_6] : memref<10001xi32, #tpu.memory_space<hbm>> -> memref<344xi32, #tpu.memory_space<hbm>>
      tpu.enqueue_dma source(%dma_start3A_182 : memref<344xi32, #tpu.memory_space<hbm>>) target(%dma_start3A_181 : memref<344xi32, #tpu.memory_space<vmem>>) target_semaphore(%run_scoped3A : memref<!tpu.dma_semaphore, #tpu.memory_space<semaphore_mem>>)
      %dma_wait3A_183 = arith.constant 0 : i32
      %dma_wait3A_184 = tpu.memref_slice %arg6[%dma_wait3A_183] : memref<360xi32, #tpu.memory_space<vmem>> -> memref<344xi32, #tpu.memory_space<vmem>>
      %dma_wait3A_185 = tpu.memref_slice %arg3[%multiple_of3A_6] : memref<10001xi32, #tpu.memory_space<hbm>> -> memref<344xi32, #tpu.memory_space<hbm>>
      %dma_wait3A_186 = arith.constant 0 : i32
      %dma_wait3A_187 = tpu.memref_slice %arg6[%dma_wait3A_186] : memref<360xi32, #tpu.memory_space<vmem>> -> memref<344xi32, #tpu.memory_space<vmem>>
      %dma_wait3A_188 = tpu.memref_slice %arg3[%multiple_of3A_6] : memref<10001xi32, #tpu.memory_space<hbm>> -> memref<344xi32, #tpu.memory_space<hbm>>
      tpu.wait_dma2 semaphore(%run_scoped3A : memref<!tpu.dma_semaphore, #tpu.memory_space<semaphore_mem>>) src(%dma_wait3A_188 : memref<344xi32, #tpu.memory_space<hbm>>) dst(%dma_wait3A_187 : memref<344xi32, #tpu.memory_space<vmem>>)
      tpu.yield
    }) : () -> ()
    %gt3A = arith.constant 0 : i32
    %gt3A_7 = arith.cmpi sgt, %sub3A, %gt3A : i32
    %convert_element_type3A = arith.extui %gt3A_7 : i1 to i32
    %cond3A = arith.constant 0 : i32
    %cond3A_8 = arith.cmpi ne, %convert_element_type3A, %cond3A : i32
    scf.if %cond3A_8 {
      %broadcast_in_dim3A_177 = arith.constant 160000 : i32
      %broadcast_in_dim3A_178 = vector.broadcast %broadcast_in_dim3A_177 : i32 to vector<16xi32>
      %add3A_179 = arith.constant 320 : i32
      %add3A_180 = arith.addi %sub3A, %add3A_179 : i32
      %swap3A = arith.index_cast %add3A_180 : i32 to index
      %swap3A_181 = tpu.vector_load %arg6[%swap3A] {strides = array<i32>} : memref<360xi32, #tpu.memory_space<vmem>>, vector<16xi32>,
      tpu.vector_store %arg6[%swap3A], %broadcast_in_dim3A_178 {strides = array<i32>} : memref<360xi32, #tpu.memory_space<vmem>>, vector<16xi32>,
    } else {
    }
    %add3A_9 = arith.constant 0 : i32
    %add3A_10 = arith.addi %sub3A, %add3A_9 : i32
    %get3A = arith.index_cast %add3A_10 : i32 to index
    %get3A_11 = tpu.vector_load %arg6[%get3A] {strides = array<i32>} : memref<360xi32, #tpu.memory_space<vmem>>, vector<16xi32>,
    %slice3A = vector.extract_strided_slice %get3A_11 {offsets = [0], sizes = [1], strides = [1]} : vector<16xi32> to vector<1xi32>
    %squeeze3A = vector.extract %slice3A[0] : i32 from vector<1xi32>
    %add3A_12 = arith.constant 320 : i32
    %add3A_13 = arith.addi %sub3A, %add3A_12 : i32
    %get3A_14 = arith.index_cast %add3A_13 : i32 to index
    %get3A_15 = tpu.vector_load %arg6[%get3A_14] {strides = array<i32>} : memref<360xi32, #tpu.memory_space<vmem>>, vector<16xi32>,
    %slice3A_16 = vector.extract_strided_slice %get3A_15 {offsets = [0], sizes = [1], strides = [1]} : vector<16xi32> to vector<1xi32>
    %squeeze3A_17 = vector.extract %slice3A_16[0] : i32 from vector<1xi32>
    %rem3A = arith.constant 8 : i32
    %rem3A_18 = arith.remsi %squeeze3A, %rem3A : i32
    %sub3A_19 = arith.subi %squeeze3A, %rem3A_18 : i32
    %sub3A_20 = arith.subi %squeeze3A_17, %sub3A_19 : i32
    %add3A_21 = arith.constant 255 : i32
    %add3A_22 = arith.addi %sub3A_20, %add3A_21 : i32
    %div3A = arith.constant 256 : i32
    %div3A_23 = arith.divsi %add3A_22, %div3A : i32
    %add3A_24 = arith.constant 1 : i32
    %add3A_25 = arith.addi %div3A_23, %add3A_24 : i32
    %div3A_26 = arith.constant 2 : i32
    %div3A_27 = arith.divsi %add3A_25, %div3A_26 : i32
    %max3A = arith.constant 1 : i32
    %max3A_28 = arith.maxsi %div3A_27, %max3A : i32
    %mul3A_29 = arith.constant 2 : i32
    %mul3A_30 = arith.muli %mul3A_29, %max3A_28 : i32
    %broadcast_in_dim3A = arith.constant 0.000000e+00 : f32
    %broadcast_in_dim3A_31 = vector.broadcast %broadcast_in_dim3A : f32 to vector<16xf32>
    %broadcast_in_dim3A_32 = arith.constant 0.000000e+00 : f32
    %broadcast_in_dim3A_33 = vector.broadcast %broadcast_in_dim3A_32 : f32 to vector<16xf32>
    %broadcast_in_dim3A_34 = arith.constant 0.000000e+00 : f32
    %broadcast_in_dim3A_35 = vector.broadcast %broadcast_in_dim3A_34 : f32 to vector<16xf32>
    %broadcast_in_dim3A_36 = arith.constant 0.000000e+00 : f32
    %broadcast_in_dim3A_37 = vector.broadcast %broadcast_in_dim3A_36 : f32 to vector<16xf32>
    %broadcast_in_dim3A_38 = arith.constant 0.000000e+00 : f32
    %broadcast_in_dim3A_39 = vector.broadcast %broadcast_in_dim3A_38 : f32 to vector<16xf32>
    %broadcast_in_dim3A_40 = arith.constant 0.000000e+00 : f32
    %broadcast_in_dim3A_41 = vector.broadcast %broadcast_in_dim3A_40 : f32 to vector<16xf32>
    %broadcast_in_dim3A_42 = arith.constant 0.000000e+00 : f32
    %broadcast_in_dim3A_43 = vector.broadcast %broadcast_in_dim3A_42 : f32 to vector<16xf32>
    %broadcast_in_dim3A_44 = arith.constant 0.000000e+00 : f32
    %broadcast_in_dim3A_45 = vector.broadcast %broadcast_in_dim3A_44 : f32 to vector<16xf32>
    %broadcast_in_dim3A_46 = arith.constant 0.000000e+00 : f32
    %broadcast_in_dim3A_47 = vector.broadcast %broadcast_in_dim3A_46 : f32 to vector<16xf32>
    %broadcast_in_dim3A_48 = arith.constant 0.000000e+00 : f32
    %broadcast_in_dim3A_49 = vector.broadcast %broadcast_in_dim3A_48 : f32 to vector<16xf32>
    %broadcast_in_dim3A_50 = arith.constant 0.000000e+00 : f32
    %broadcast_in_dim3A_51 = vector.broadcast %broadcast_in_dim3A_50 : f32 to vector<16xf32>
    %broadcast_in_dim3A_52 = arith.constant 0.000000e+00 : f32
    %broadcast_in_dim3A_53 = vector.broadcast %broadcast_in_dim3A_52 : f32 to vector<16xf32>
    %broadcast_in_dim3A_54 = arith.constant 0.000000e+00 : f32
    %broadcast_in_dim3A_55 = vector.broadcast %broadcast_in_dim3A_54 : f32 to vector<16xf32>
    %broadcast_in_dim3A_56 = arith.constant 0.000000e+00 : f32
    %broadcast_in_dim3A_57 = vector.broadcast %broadcast_in_dim3A_56 : f32 to vector<16xf32>
    %broadcast_in_dim3A_58 = arith.constant 0.000000e+00 : f32
    %broadcast_in_dim3A_59 = vector.broadcast %broadcast_in_dim3A_58 : f32 to vector<16xf32>
    %broadcast_in_dim3A_60 = arith.constant 0.000000e+00 : f32
    %broadcast_in_dim3A_61 = vector.broadcast %broadcast_in_dim3A_60 : f32 to vector<16xf32>
    %add3A_62 = arith.constant 0 : i32
    %add3A_63 = arith.addi %sub3A_19, %add3A_62 : i32
    %min3A_64 = arith.constant 159744 : i32
    %min3A_65 = arith.minsi %add3A_63, %min3A_64 : i32
    %multiple_of3A_66 = tpu.assume_multiple %min3A_65, 8 : i32
    %dma_start3A = arith.constant 0 : i32
    %dma_start3A_67 = arith.constant 0 : i32
    %dma_start3A_68 = tpu.memref_slice %arg7[%dma_start3A_67] : memref<512xi32, #tpu.memory_space<vmem>> -> memref<256xi32, #tpu.memory_space<vmem>>
    %dma_start3A_69 = tpu.memref_slice %arg4[%multiple_of3A_66] : memref<160000xi32, #tpu.memory_space<hbm>> -> memref<256xi32, #tpu.memory_space<hbm>>
    %dma_start3A_70 = tpu.memref_slice %arg11[%dma_start3A] : memref<2x!tpu.dma_semaphore, #tpu.memory_space<semaphore_mem>> -> memref<1x!tpu.dma_semaphore, #tpu.memory_space<semaphore_mem>>
    %dma_start3A_71 = tpu.memref_squeeze %dma_start3A_70 : memref<1x!tpu.dma_semaphore, #tpu.memory_space<semaphore_mem>> -> memref<!tpu.dma_semaphore, #tpu.memory_space<semaphore_mem>>
    %dma_start3A_72 = arith.constant 0 : i32
    %dma_start3A_73 = tpu.memref_slice %arg7[%dma_start3A_72] : memref<512xi32, #tpu.memory_space<vmem>> -> memref<256xi32, #tpu.memory_space<vmem>>
    %dma_start3A_74 = tpu.memref_slice %arg4[%multiple_of3A_66] : memref<160000xi32, #tpu.memory_space<hbm>> -> memref<256xi32, #tpu.memory_space<hbm>>
    tpu.enqueue_dma source(%dma_start3A_74 : memref<256xi32, #tpu.memory_space<hbm>>) target(%dma_start3A_73 : memref<256xi32, #tpu.memory_space<vmem>>) target_semaphore(%dma_start3A_71 : memref<!tpu.dma_semaphore, #tpu.memory_space<semaphore_mem>>)
    %add3A_75 = arith.constant 256 : i32
    %add3A_76 = arith.addi %sub3A_19, %add3A_75 : i32
    %min3A_77 = arith.constant 159744 : i32
    %min3A_78 = arith.minsi %add3A_76, %min3A_77 : i32
    %multiple_of3A_79 = tpu.assume_multiple %min3A_78, 8 : i32
    %dma_start3A_80 = arith.constant 1 : i32
    %dma_start3A_81 = arith.constant 256 : i32
    %dma_start3A_82 = tpu.memref_slice %arg7[%dma_start3A_81] : memref<512xi32, #tpu.memory_space<vmem>> -> memref<256xi32, #tpu.memory_space<vmem>>
    %dma_start3A_83 = tpu.memref_slice %arg4[%multiple_of3A_79] : memref<160000xi32, #tpu.memory_space<hbm>> -> memref<256xi32, #tpu.memory_space<hbm>>
    %dma_start3A_84 = tpu.memref_slice %arg11[%dma_start3A_80] : memref<2x!tpu.dma_semaphore, #tpu.memory_space<semaphore_mem>> -> memref<1x!tpu.dma_semaphore, #tpu.memory_space<semaphore_mem>>
    %dma_start3A_85 = tpu.memref_squeeze %dma_start3A_84 : memref<1x!tpu.dma_semaphore, #tpu.memory_space<semaphore_mem>> -> memref<!tpu.dma_semaphore, #tpu.memory_space<semaphore_mem>>
    %dma_start3A_86 = arith.constant 256 : i32
    %dma_start3A_87 = tpu.memref_slice %arg7[%dma_start3A_86] : memref<512xi32, #tpu.memory_space<vmem>> -> memref<256xi32, #tpu.memory_space<vmem>>
    %dma_start3A_88 = tpu.memref_slice %arg4[%multiple_of3A_79] : memref<160000xi32, #tpu.memory_space<hbm>> -> memref<256xi32, #tpu.memory_space<hbm>>
    tpu.enqueue_dma source(%dma_start3A_88 : memref<256xi32, #tpu.memory_space<hbm>>) target(%dma_start3A_87 : memref<256xi32, #tpu.memory_space<vmem>>) target_semaphore(%dma_start3A_85 : memref<!tpu.dma_semaphore, #tpu.memory_space<semaphore_mem>>)
    %add3A_89 = arith.constant 0 : i32
    %add3A_90 = arith.addi %sub3A_19, %add3A_89 : i32
    %min3A_91 = arith.constant 159744 : i32
    %min3A_92 = arith.minsi %add3A_90, %min3A_91 : i32
    %multiple_of3A_93 = tpu.assume_multiple %min3A_92, 8 : i32
    %dma_wait3A = arith.constant 0 : i32
    %dma_wait3A_94 = arith.constant 0 : i32
    %dma_wait3A_95 = tpu.memref_slice %arg7[%dma_wait3A_94] : memref<512xi32, #tpu.memory_space<vmem>> -> memref<256xi32, #tpu.memory_space<vmem>>
    %dma_wait3A_96 = tpu.memref_slice %arg4[%multiple_of3A_93] : memref<160000xi32, #tpu.memory_space<hbm>> -> memref<256xi32, #tpu.memory_space<hbm>>
    %dma_wait3A_97 = tpu.memref_slice %arg11[%dma_wait3A] : memref<2x!tpu.dma_semaphore, #tpu.memory_space<semaphore_mem>> -> memref<1x!tpu.dma_semaphore, #tpu.memory_space<semaphore_mem>>
    %dma_wait3A_98 = tpu.memref_squeeze %dma_wait3A_97 : memref<1x!tpu.dma_semaphore, #tpu.memory_space<semaphore_mem>> -> memref<!tpu.dma_semaphore, #tpu.memory_space<semaphore_mem>>
    %dma_wait3A_99 = arith.constant 0 : i32
    %dma_wait3A_100 = tpu.memref_slice %arg7[%dma_wait3A_99] : memref<512xi32, #tpu.memory_space<vmem>> -> memref<256xi32, #tpu.memory_space<vmem>>
    %dma_wait3A_101 = tpu.memref_slice %arg4[%multiple_of3A_93] : memref<160000xi32, #tpu.memory_space<hbm>> -> memref<256xi32, #tpu.memory_space<hbm>>
    tpu.wait_dma2 semaphore(%dma_wait3A_98 : memref<!tpu.dma_semaphore, #tpu.memory_space<semaphore_mem>>) src(%dma_wait3A_101 : memref<256xi32, #tpu.memory_space<hbm>>) dst(%dma_wait3A_100 : memref<256xi32, #tpu.memory_space<vmem>>)
    %dma_start3A_102 = arith.constant 0 : i32
    %dma_start3A_103 = arith.constant 0 : i32
    %dma_start3A_104 = arith.constant 0 : i32
    %dma_start3A_105 = arith.constant 0 : i32
    %dma_start3A_106 = tpu.memref_slice %arg8[%dma_start3A_102, %dma_start3A_104, %dma_start3A_105] : memref<2x256x128xi32, #tpu.memory_space<vmem>> -> memref<1x256x128xi32, #tpu.memory_space<vmem>>
    %dma_start3A_107 = tpu.memref_squeeze %dma_start3A_106 : memref<1x256x128xi32, #tpu.memory_space<vmem>> -> memref<256x128xi32, #tpu.memory_space<vmem>>
    %dma_start3A_108 = arith.constant 0 : i32
    %dma_start3A_109 = tpu.memref_slice %arg7[%dma_start3A_108] : memref<512xi32, #tpu.memory_space<vmem>> -> memref<256xi32, #tpu.memory_space<vmem>>
    %dma_start3A_110 = arith.constant 0 : i32
    %dma_start3A_111 = arith.constant 0 : i32
    %dma_start3A_112 = tpu.memref_slice %arg2[%dma_start3A_110, %dma_start3A_111] : memref<10000x128xi32, #tpu.memory_space<hbm>> -> memref<10000x128xi32, #tpu.memory_space<hbm>>
    %dma_start3A_113 = tpu.memref_slice %arg10[%dma_start3A_103] : memref<2x!tpu.dma_semaphore, #tpu.memory_space<semaphore_mem>> -> memref<1x!tpu.dma_semaphore, #tpu.memory_space<semaphore_mem>>
    %dma_start3A_114 = tpu.memref_squeeze %dma_start3A_113 : memref<1x!tpu.dma_semaphore, #tpu.memory_space<semaphore_mem>> -> memref<!tpu.dma_semaphore, #tpu.memory_space<semaphore_mem>>
    tpu.enqueue_indirect_dma source(%dma_start3A_112 : memref<10000x128xi32, #tpu.memory_space<hbm>>) target(%dma_start3A_107 : memref<256x128xi32, #tpu.memory_space<vmem>>) offsets(%dma_start3A_109 : memref<256xi32, #tpu.memory_space<vmem>>) semaphore(%dma_start3A_114 : memref<!tpu.dma_semaphore, #tpu.memory_space<semaphore_mem>>)
    %while3A = arith.constant 0 : i32
    %while3A_115 = arith.constant 0 : i32
    %while3A_116 = arith.subi %mul3A_30, %while3A : i32
    %while3A_117 = arith.addi %while3A, %while3A_116 : i32
    %while3A_118 = arith.constant 1 : i32
    %while3A_119 = arith.divsi %while3A_116, %while3A_118 : i32
    %while3A_120 = arith.muli %while3A_119, %while3A_118 : i32
    %while3A_121 = arith.addi %while3A, %while3A_120 : i32
    %while3A_122 = arith.constant 1 : i32
    %while3A_123:17 = scf.for %while3A_177 = %while3A to %while3A_121 step %while3A_122 iter_args(%while3A_178 = %while3A_115, %while3A_179 = %broadcast_in_dim3A_31, %while3A_180 = %broadcast_in_dim3A_33, %while3A_181 = %broadcast_in_dim3A_35, %while3A_182 = %broadcast_in_dim3A_37, %while3A_183 = %broadcast_in_dim3A_39, %while3A_184 = %broadcast_in_dim3A_41, %while3A_185 = %broadcast_in_dim3A_43, %while3A_186 = %broadcast_in_dim3A_45, %while3A_187 = %broadcast_in_dim3A_47, %while3A_188 = %broadcast_in_dim3A_49, %while3A_189 = %broadcast_in_dim3A_51, %while3A_190 = %broadcast_in_dim3A_53, %while3A_191 = %broadcast_in_dim3A_55, %while3A_192 = %broadcast_in_dim3A_57, %while3A_193 = %broadcast_in_dim3A_59, %while3A_194 = %broadcast_in_dim3A_61) -> (i32, vector<16xf32>, vector<16xf32>, vector<16xf32>, vector<16xf32>, vector<16xf32>, vector<16xf32>, vector<16xf32>, vector<16xf32>, vector<16xf32>, vector<16xf32>, vector<16xf32>, vector<16xf32>, vector<16xf32>, vector<16xf32>, vector<16xf32>, vector<16xf32>)  : i32 {
      %rem3A_195 = arith.constant 2 : i32
      %rem3A_196 = arith.remsi %while3A_177, %rem3A_195 : i32
      %sub3A_197 = arith.constant 1 : i32
      %sub3A_198 = arith.subi %sub3A_197, %rem3A_196 : i32
      %add3A_199 = arith.constant 1 : i32
      %add3A_200 = arith.addi %while3A_177, %add3A_199 : i32
      %mul3A_201 = arith.constant 256 : i32
      %mul3A_202 = arith.muli %add3A_200, %mul3A_201 : i32
      %add3A_203 = arith.addi %sub3A_19, %mul3A_202 : i32
      %min3A_204 = arith.constant 159744 : i32
      %min3A_205 = arith.minsi %add3A_203, %min3A_204 : i32
      %multiple_of3A_206 = tpu.assume_multiple %min3A_205, 8 : i32
      %mul3A_207 = arith.constant 256 : i32
      %mul3A_208 = arith.muli %sub3A_198, %mul3A_207 : i32
      %dma_wait3A_209 = tpu.memref_slice %arg7[%mul3A_208] : memref<512xi32, #tpu.memory_space<vmem>> -> memref<256xi32, #tpu.memory_space<vmem>>
      %dma_wait3A_210 = tpu.memref_slice %arg4[%multiple_of3A_206] : memref<160000xi32, #tpu.memory_space<hbm>> -> memref<256xi32, #tpu.memory_space<hbm>>
      %dma_wait3A_211 = tpu.memref_slice %arg11[%sub3A_198] : memref<2x!tpu.dma_semaphore, #tpu.memory_space<semaphore_mem>> -> memref<1x!tpu.dma_semaphore, #tpu.memory_space<semaphore_mem>>
      %dma_wait3A_212 = tpu.memref_squeeze %dma_wait3A_211 : memref<1x!tpu.dma_semaphore, #tpu.memory_space<semaphore_mem>> -> memref<!tpu.dma_semaphore, #tpu.memory_space<semaphore_mem>>
      %dma_wait3A_213 = tpu.memref_slice %arg7[%mul3A_208] : memref<512xi32, #tpu.memory_space<vmem>> -> memref<256xi32, #tpu.memory_space<vmem>>
      %dma_wait3A_214 = tpu.memref_slice %arg4[%multiple_of3A_206] : memref<160000xi32, #tpu.memory_space<hbm>> -> memref<256xi32, #tpu.memory_space<hbm>>
      tpu.wait_dma2 semaphore(%dma_wait3A_212 : memref<!tpu.dma_semaphore, #tpu.memory_space<semaphore_mem>>) src(%dma_wait3A_214 : memref<256xi32, #tpu.memory_space<hbm>>) dst(%dma_wait3A_213 : memref<256xi32, #tpu.memory_space<vmem>>)
      %mul3A_215 = arith.constant 256 : i32
      %mul3A_216 = arith.muli %sub3A_198, %mul3A_215 : i32
      %dma_start3A_217 = arith.constant 0 : i32
      %dma_start3A_218 = arith.constant 0 : i32
      %dma_start3A_219 = tpu.memref_slice %arg8[%sub3A_198, %dma_start3A_217, %dma_start3A_218] : memref<2x256x128xi32, #tpu.memory_space<vmem>> -> memref<1x256x128xi32, #tpu.memory_space<vmem>>
      %dma_start3A_220 = tpu.memref_squeeze %dma_start3A_219 : memref<1x256x128xi32, #tpu.memory_space<vmem>> -> memref<256x128xi32, #tpu.memory_space<vmem>>
      %dma_start3A_221 = tpu.memref_slice %arg7[%mul3A_216] : memref<512xi32, #tpu.memory_space<vmem>> -> memref<256xi32, #tpu.memory_space<vmem>>
      %dma_start3A_222 = arith.constant 0 : i32
      %dma_start3A_223 = arith.constant 0 : i32
      %dma_start3A_224 = tpu.memref_slice %arg2[%dma_start3A_222, %dma_start3A_223] : memref<10000x128xi32, #tpu.memory_space<hbm>> -> memref<10000x128xi32, #tpu.memory_space<hbm>>
      %dma_start3A_225 = tpu.memref_slice %arg10[%sub3A_198] : memref<2x!tpu.dma_semaphore, #tpu.memory_space<semaphore_mem>> -> memref<1x!tpu.dma_semaphore, #tpu.memory_space<semaphore_mem>>
      %dma_start3A_226 = tpu.memref_squeeze %dma_start3A_225 : memref<1x!tpu.dma_semaphore, #tpu.memory_space<semaphore_mem>> -> memref<!tpu.dma_semaphore, #tpu.memory_space<semaphore_mem>>
      tpu.enqueue_indirect_dma source(%dma_start3A_224 : memref<10000x128xi32, #tpu.memory_space<hbm>>) target(%dma_start3A_220 : memref<256x128xi32, #tpu.memory_space<vmem>>) offsets(%dma_start3A_221 : memref<256xi32, #tpu.memory_space<vmem>>) semaphore(%dma_start3A_226 : memref<!tpu.dma_semaphore, #tpu.memory_space<semaphore_mem>>)
      %dma_wait3A_227 = arith.constant 0 : i32
      %dma_wait3A_228 = arith.constant 0 : i32
      %dma_wait3A_229 = tpu.memref_slice %arg8[%rem3A_196, %dma_wait3A_227, %dma_wait3A_228] : memref<2x256x128xi32, #tpu.memory_space<vmem>> -> memref<1x256x128xi32, #tpu.memory_space<vmem>>
      %dma_wait3A_230 = tpu.memref_squeeze %dma_wait3A_229 : memref<1x256x128xi32, #tpu.memory_space<vmem>> -> memref<256x128xi32, #tpu.memory_space<vmem>>
      %dma_wait3A_231 = arith.constant 0 : i32
      %dma_wait3A_232 = arith.constant 0 : i32
      %dma_wait3A_233 = tpu.memref_slice %arg2[%dma_wait3A_231, %dma_wait3A_232] : memref<10000x128xi32, #tpu.memory_space<hbm>> -> memref<256x128xi32, #tpu.memory_space<hbm>>
      %dma_wait3A_234 = tpu.memref_slice %arg10[%rem3A_196] : memref<2x!tpu.dma_semaphore, #tpu.memory_space<semaphore_mem>> -> memref<1x!tpu.dma_semaphore, #tpu.memory_space<semaphore_mem>>
      %dma_wait3A_235 = tpu.memref_squeeze %dma_wait3A_234 : memref<1x!tpu.dma_semaphore, #tpu.memory_space<semaphore_mem>> -> memref<!tpu.dma_semaphore, #tpu.memory_space<semaphore_mem>>
      %dma_wait3A_236 = arith.constant 0 : i32
      %dma_wait3A_237 = arith.constant 0 : i32
      %dma_wait3A_238 = tpu.memref_slice %arg8[%rem3A_196, %dma_wait3A_236, %dma_wait3A_237] : memref<2x256x128xi32, #tpu.memory_space<vmem>> -> memref<1x256x128xi32, #tpu.memory_space<vmem>>
      %dma_wait3A_239 = tpu.memref_squeeze %dma_wait3A_238 : memref<1x256x128xi32, #tpu.memory_space<vmem>> -> memref<256x128xi32, #tpu.memory_space<vmem>>
      %dma_wait3A_240 = arith.constant 0 : i32
      %dma_wait3A_241 = arith.constant 0 : i32
      %dma_wait3A_242 = tpu.memref_slice %arg2[%dma_wait3A_240, %dma_wait3A_241] : memref<10000x128xi32, #tpu.memory_space<hbm>> -> memref<256x128xi32, #tpu.memory_space<hbm>>
      tpu.wait_dma2 semaphore(%dma_wait3A_235 : memref<!tpu.dma_semaphore, #tpu.memory_space<semaphore_mem>>) src(%dma_wait3A_242 : memref<256x128xi32, #tpu.memory_space<hbm>>) dst(%dma_wait3A_239 : memref<256x128xi32, #tpu.memory_space<vmem>>)
      %add3A_243 = arith.constant 2 : i32
      %add3A_244 = arith.addi %while3A_177, %add3A_243 : i32
      %mul3A_245 = arith.constant 256 : i32
      %mul3A_246 = arith.muli %add3A_244, %mul3A_245 : i32
      %add3A_247 = arith.addi %sub3A_19, %mul3A_246 : i32
      %min3A_248 = arith.constant 159744 : i32
      %min3A_249 = arith.minsi %add3A_247, %min3A_248 : i32
      %multiple_of3A_250 = tpu.assume_multiple %min3A_249, 8 : i32
      %mul3A_251 = arith.constant 256 : i32
      %mul3A_252 = arith.muli %rem3A_196, %mul3A_251 : i32
      %dma_start3A_253 = tpu.memref_slice %arg7[%mul3A_252] : memref<512xi32, #tpu.memory_space<vmem>> -> memref<256xi32, #tpu.memory_space<vmem>>
      %dma_start3A_254 = tpu.memref_slice %arg4[%multiple_of3A_250] : memref<160000xi32, #tpu.memory_space<hbm>> -> memref<256xi32, #tpu.memory_space<hbm>>
      %dma_start3A_255 = tpu.memref_slice %arg11[%rem3A_196] : memref<2x!tpu.dma_semaphore, #tpu.memory_space<semaphore_mem>> -> memref<1x!tpu.dma_semaphore, #tpu.memory_space<semaphore_mem>>
      %dma_start3A_256 = tpu.memref_squeeze %dma_start3A_255 : memref<1x!tpu.dma_semaphore, #tpu.memory_space<semaphore_mem>> -> memref<!tpu.dma_semaphore, #tpu.memory_space<semaphore_mem>>
      %dma_start3A_257 = tpu.memref_slice %arg7[%mul3A_252] : memref<512xi32, #tpu.memory_space<vmem>> -> memref<256xi32, #tpu.memory_space<vmem>>
      %dma_start3A_258 = tpu.memref_slice %arg4[%multiple_of3A_250] : memref<160000xi32, #tpu.memory_space<hbm>> -> memref<256xi32, #tpu.memory_space<hbm>>
      tpu.enqueue_dma source(%dma_start3A_258 : memref<256xi32, #tpu.memory_space<hbm>>) target(%dma_start3A_257 : memref<256xi32, #tpu.memory_space<vmem>>) target_semaphore(%dma_start3A_256 : memref<!tpu.dma_semaphore, #tpu.memory_space<semaphore_mem>>)
      %mul3A_259 = arith.constant 256 : i32
      %mul3A_260 = arith.muli %while3A_177, %mul3A_259 : i32
      %add3A_261 = arith.addi %sub3A_19, %mul3A_260 : i32
      %add3A_262 = arith.constant 256 : i32
      %add3A_263 = arith.addi %add3A_261, %add3A_262 : i32
      %mul3A_264 = arith.constant 256 : i32
      %mul3A_265 = arith.muli %while3A_177, %mul3A_264 : i32
      %add3A_266 = arith.addi %sub3A_19, %mul3A_265 : i32
      %min3A_267 = arith.constant 159744 : i32
      %min3A_268 = arith.minsi %add3A_266, %min3A_267 : i32
      %multiple_of3A_269 = tpu.assume_multiple %min3A_268, 8 : i32
      %while3A_270:17 = scf.while (%while3A_290 = %while3A_178, %while3A_291 = %while3A_179, %while3A_292 = %while3A_180, %while3A_293 = %while3A_181, %while3A_294 = %while3A_182, %while3A_295 = %while3A_183, %while3A_296 = %while3A_184, %while3A_297 = %while3A_185, %while3A_298 = %while3A_186, %while3A_299 = %while3A_187, %while3A_300 = %while3A_188, %while3A_301 = %while3A_189, %while3A_302 = %while3A_190, %while3A_303 = %while3A_191, %while3A_304 = %while3A_192, %while3A_305 = %while3A_193, %while3A_306 = %while3A_194) : (i32, vector<16xf32>, vector<16xf32>, vector<16xf32>, vector<16xf32>, vector<16xf32>, vector<16xf32>, vector<16xf32>, vector<16xf32>, vector<16xf32>, vector<16xf32>, vector<16xf32>, vector<16xf32>, vector<16xf32>, vector<16xf32>, vector<16xf32>, vector<16xf32>) -> (i32, vector<16xf32>, vector<16xf32>, vector<16xf32>, vector<16xf32>, vector<16xf32>, vector<16xf32>, vector<16xf32>, vector<16xf32>, vector<16xf32>, vector<16xf32>, vector<16xf32>, vector<16xf32>, vector<16xf32>, vector<16xf32>, vector<16xf32>, vector<16xf32>) {
        %lt3A_307 = arith.constant 320 : i32
        %lt3A_308 = arith.cmpi slt, %while3A_290, %lt3A_307 : i32
        %add3A_309 = arith.constant 1 : i32
        %add3A_310 = arith.addi %while3A_290, %add3A_309 : i32
        %add3A_311 = arith.addi %sub3A, %add3A_310 : i32
        %get3A_312 = arith.index_cast %add3A_311 : i32 to index
        %get3A_313 = tpu.vector_load %arg6[%get3A_312] {strides = array<i32>} : memref<360xi32, #tpu.memory_space<vmem>>, vector<16xi32>,
        %slice3A_314 = vector.extract_strided_slice %get3A_313 {offsets = [0], sizes = [1], strides = [1]} : vector<16xi32> to vector<1xi32>
        %squeeze3A_315 = vector.extract %slice3A_314[0] : i32 from vector<1xi32>
        %le3A = arith.cmpi sle, %squeeze3A_315, %add3A_263 : i32
        %and3A = arith.andi %lt3A_308, %le3A : i1
        scf.condition(%and3A) %while3A_290, %while3A_291, %while3A_292, %while3A_293, %while3A_294, %while3A_295, %while3A_296, %while3A_297, %while3A_298, %while3A_299, %while3A_300, %while3A_301, %while3A_302, %while3A_303, %while3A_304, %while3A_305, %while3A_306 : i32, vector<16xf32>, vector<16xf32>, vector<16xf32>, vector<16xf32>, vector<16xf32>, vector<16xf32>, vector<16xf32>, vector<16xf32>, vector<16xf32>, vector<16xf32>, vector<16xf32>, vector<16xf32>, vector<16xf32>, vector<16xf32>, vector<16xf32>, vector<16xf32>
      } do {
      ^bb0(%while3A_290: i32, %while3A_291: vector<16xf32>, %while3A_292: vector<16xf32>, %while3A_293: vector<16xf32>, %while3A_294: vector<16xf32>, %while3A_295: vector<16xf32>, %while3A_296: vector<16xf32>, %while3A_297: vector<16xf32>, %while3A_298: vector<16xf32>, %while3A_299: vector<16xf32>, %while3A_300: vector<16xf32>, %while3A_301: vector<16xf32>, %while3A_302: vector<16xf32>, %while3A_303: vector<16xf32>, %while3A_304: vector<16xf32>, %while3A_305: vector<16xf32>, %while3A_306: vector<16xf32>):
        %add3A_307 = arith.addi %sub3A, %while3A_290 : i32
        %get3A_308 = arith.index_cast %add3A_307 : i32 to index
        %get3A_309 = tpu.vector_load %arg6[%get3A_308] {strides = array<i32>} : memref<360xi32, #tpu.memory_space<vmem>>, vector<16xi32>,
        %slice3A_310 = vector.extract_strided_slice %get3A_309 {offsets = [0], sizes = [1], strides = [1]} : vector<16xi32> to vector<1xi32>
        %squeeze3A_311 = vector.extract %slice3A_310[0] : i32 from vector<1xi32>
        %max3A_312 = arith.maxsi %squeeze3A_311, %add3A_261 : i32
        %add3A_313 = arith.constant 1 : i32
        %add3A_314 = arith.addi %while3A_290, %add3A_313 : i32
        %add3A_315 = arith.addi %sub3A, %add3A_314 : i32
        %get3A_316 = arith.index_cast %add3A_315 : i32 to index
        %get3A_317 = tpu.vector_load %arg6[%get3A_316] {strides = array<i32>} : memref<360xi32, #tpu.memory_space<vmem>>, vector<16xi32>,
        %slice3A_318 = vector.extract_strided_slice %get3A_317 {offsets = [0], sizes = [1], strides = [1]} : vector<16xi32> to vector<1xi32>
        %squeeze3A_319 = vector.extract %slice3A_318[0] : i32 from vector<1xi32>
        %parallel_loop3A_320 = arith.constant 1 : i32
        %parallel_loop3A_321:16 = scf.for %parallel_loop3A_398 = %max3A_312 to %squeeze3A_319 step %parallel_loop3A_320 iter_args(%parallel_loop3A_399 = %while3A_291, %parallel_loop3A_400 = %while3A_292, %parallel_loop3A_401 = %while3A_293, %parallel_loop3A_402 = %while3A_294, %parallel_loop3A_403 = %while3A_295, %parallel_loop3A_404 = %while3A_296, %parallel_loop3A_405 = %while3A_297, %parallel_loop3A_406 = %while3A_298, %parallel_loop3A_407 = %while3A_299, %parallel_loop3A_408 = %while3A_300, %parallel_loop3A_409 = %while3A_301, %parallel_loop3A_410 = %while3A_302, %parallel_loop3A_411 = %while3A_303, %parallel_loop3A_412 = %while3A_304, %parallel_loop3A_413 = %while3A_305, %parallel_loop3A_414 = %while3A_306) -> (vector<16xf32>, vector<16xf32>, vector<16xf32>, vector<16xf32>, vector<16xf32>, vector<16xf32>, vector<16xf32>, vector<16xf32>, vector<16xf32>, vector<16xf32>, vector<16xf32>, vector<16xf32>, vector<16xf32>, vector<16xf32>, vector<16xf32>, vector<16xf32>)  : i32 {
          %parallel_loop3A_415 = arith.subi %parallel_loop3A_398, %multiple_of3A_269 : i32
          %parallel_loop3A_416 = arith.index_cast %rem3A_196 : i32 to index
          %parallel_loop3A_417 = arith.index_cast %parallel_loop3A_415 : i32 to index
          %parallel_loop3A_418 = arith.constant 0 : index
          %parallel_loop3A_419 = tpu.vector_load %arg8[%parallel_loop3A_416, %parallel_loop3A_417, %parallel_loop3A_418] {strides = array<i32>} : memref<2x256x128xi32, #tpu.memory_space<vmem>>, vector<16xi32>,
          %parallel_loop3A_420 = arith.constant 16 : i32
          %parallel_loop3A_421 = vector.broadcast %parallel_loop3A_420 : i32 to vector<16xi32>
          %parallel_loop3A_422 = arith.shli %parallel_loop3A_419, %parallel_loop3A_421 : vector<16xi32>
          %parallel_loop3A_423 = vector.bitcast %parallel_loop3A_422 : vector<16xi32> to vector<16xf32>
          %parallel_loop3A_424 = vector.bitcast %parallel_loop3A_419 : vector<16xi32> to vector<16xf32>
          %parallel_loop3A_425 = arith.addf %parallel_loop3A_399, %parallel_loop3A_423 : vector<16xf32>
          %parallel_loop3A_426 = arith.addf %parallel_loop3A_407, %parallel_loop3A_424 : vector<16xf32>
          %parallel_loop3A_427 = arith.index_cast %rem3A_196 : i32 to index
          %parallel_loop3A_428 = arith.index_cast %parallel_loop3A_415 : i32 to index
          %parallel_loop3A_429 = arith.constant 16 : index
          %parallel_loop3A_430 = tpu.vector_load %arg8[%parallel_loop3A_427, %parallel_loop3A_428, %parallel_loop3A_429] {strides = array<i32>} : memref<2x256x128xi32, #tpu.memory_space<vmem>>, vector<16xi32>,
          %parallel_loop3A_431 = arith.constant 16 : i32
          %parallel_loop3A_432 = vector.broadcast %parallel_loop3A_431 : i32 to vector<16xi32>
          %parallel_loop3A_433 = arith.shli %parallel_loop3A_430, %parallel_loop3A_432 : vector<16xi32>
          %parallel_loop3A_434 = vector.bitcast %parallel_loop3A_433 : vector<16xi32> to vector<16xf32>
          %parallel_loop3A_435 = vector.bitcast %parallel_loop3A_430 : vector<16xi32> to vector<16xf32>
          %parallel_loop3A_436 = arith.addf %parallel_loop3A_400, %parallel_loop3A_434 : vector<16xf32>
          %parallel_loop3A_437 = arith.addf %parallel_loop3A_408, %parallel_loop3A_435 : vector<16xf32>
          %parallel_loop3A_438 = arith.index_cast %rem3A_196 : i32 to index
          %parallel_loop3A_439 = arith.index_cast %parallel_loop3A_415 : i32 to index
          %parallel_loop3A_440 = arith.constant 32 : index
          %parallel_loop3A_441 = tpu.vector_load %arg8[%parallel_loop3A_438, %parallel_loop3A_439, %parallel_loop3A_440] {strides = array<i32>} : memref<2x256x128xi32, #tpu.memory_space<vmem>>, vector<16xi32>,
          %parallel_loop3A_442 = arith.constant 16 : i32
          %parallel_loop3A_443 = vector.broadcast %parallel_loop3A_442 : i32 to vector<16xi32>
          %parallel_loop3A_444 = arith.shli %parallel_loop3A_441, %parallel_loop3A_443 : vector<16xi32>
          %parallel_loop3A_445 = vector.bitcast %parallel_loop3A_444 : vector<16xi32> to vector<16xf32>
          %parallel_loop3A_446 = vector.bitcast %parallel_loop3A_441 : vector<16xi32> to vector<16xf32>
          %parallel_loop3A_447 = arith.addf %parallel_loop3A_401, %parallel_loop3A_445 : vector<16xf32>
          %parallel_loop3A_448 = arith.addf %parallel_loop3A_409, %parallel_loop3A_446 : vector<16xf32>
          %parallel_loop3A_449 = arith.index_cast %rem3A_196 : i32 to index
          %parallel_loop3A_450 = arith.index_cast %parallel_loop3A_415 : i32 to index
          %parallel_loop3A_451 = arith.constant 48 : index
          %parallel_loop3A_452 = tpu.vector_load %arg8[%parallel_loop3A_449, %parallel_loop3A_450, %parallel_loop3A_451] {strides = array<i32>} : memref<2x256x128xi32, #tpu.memory_space<vmem>>, vector<16xi32>,
          %parallel_loop3A_453 = arith.constant 16 : i32
          %parallel_loop3A_454 = vector.broadcast %parallel_loop3A_453 : i32 to vector<16xi32>
          %parallel_loop3A_455 = arith.shli %parallel_loop3A_452, %parallel_loop3A_454 : vector<16xi32>
          %parallel_loop3A_456 = vector.bitcast %parallel_loop3A_455 : vector<16xi32> to vector<16xf32>
          %parallel_loop3A_457 = vector.bitcast %parallel_loop3A_452 : vector<16xi32> to vector<16xf32>
          %parallel_loop3A_458 = arith.addf %parallel_loop3A_402, %parallel_loop3A_456 : vector<16xf32>
          %parallel_loop3A_459 = arith.addf %parallel_loop3A_410, %parallel_loop3A_457 : vector<16xf32>
          %parallel_loop3A_460 = arith.index_cast %rem3A_196 : i32 to index
          %parallel_loop3A_461 = arith.index_cast %parallel_loop3A_415 : i32 to index
          %parallel_loop3A_462 = arith.constant 64 : index
          %parallel_loop3A_463 = tpu.vector_load %arg8[%parallel_loop3A_460, %parallel_loop3A_461, %parallel_loop3A_462] {strides = array<i32>} : memref<2x256x128xi32, #tpu.memory_space<vmem>>, vector<16xi32>,
          %parallel_loop3A_464 = arith.constant 16 : i32
          %parallel_loop3A_465 = vector.broadcast %parallel_loop3A_464 : i32 to vector<16xi32>
          %parallel_loop3A_466 = arith.shli %parallel_loop3A_463, %parallel_loop3A_465 : vector<16xi32>
          %parallel_loop3A_467 = vector.bitcast %parallel_loop3A_466 : vector<16xi32> to vector<16xf32>
          %parallel_loop3A_468 = vector.bitcast %parallel_loop3A_463 : vector<16xi32> to vector<16xf32>
          %parallel_loop3A_469 = arith.addf %parallel_loop3A_403, %parallel_loop3A_467 : vector<16xf32>
          %parallel_loop3A_470 = arith.addf %parallel_loop3A_411, %parallel_loop3A_468 : vector<16xf32>
          %parallel_loop3A_471 = arith.index_cast %rem3A_196 : i32 to index
          %parallel_loop3A_472 = arith.index_cast %parallel_loop3A_415 : i32 to index
          %parallel_loop3A_473 = arith.constant 80 : index
          %parallel_loop3A_474 = tpu.vector_load %arg8[%parallel_loop3A_471, %parallel_loop3A_472, %parallel_loop3A_473] {strides = array<i32>} : memref<2x256x128xi32, #tpu.memory_space<vmem>>, vector<16xi32>,
          %parallel_loop3A_475 = arith.constant 16 : i32
          %parallel_loop3A_476 = vector.broadcast %parallel_loop3A_475 : i32 to vector<16xi32>
          %parallel_loop3A_477 = arith.shli %parallel_loop3A_474, %parallel_loop3A_476 : vector<16xi32>
          %parallel_loop3A_478 = vector.bitcast %parallel_loop3A_477 : vector<16xi32> to vector<16xf32>
          %parallel_loop3A_479 = vector.bitcast %parallel_loop3A_474 : vector<16xi32> to vector<16xf32>
          %parallel_loop3A_480 = arith.addf %parallel_loop3A_404, %parallel_loop3A_478 : vector<16xf32>
          %parallel_loop3A_481 = arith.addf %parallel_loop3A_412, %parallel_loop3A_479 : vector<16xf32>
          %parallel_loop3A_482 = arith.index_cast %rem3A_196 : i32 to index
          %parallel_loop3A_483 = arith.index_cast %parallel_loop3A_415 : i32 to index
          %parallel_loop3A_484 = arith.constant 96 : index
          %parallel_loop3A_485 = tpu.vector_load %arg8[%parallel_loop3A_482, %parallel_loop3A_483, %parallel_loop3A_484] {strides = array<i32>} : memref<2x256x128xi32, #tpu.memory_space<vmem>>, vector<16xi32>,
          %parallel_loop3A_486 = arith.constant 16 : i32
          %parallel_loop3A_487 = vector.broadcast %parallel_loop3A_486 : i32 to vector<16xi32>
          %parallel_loop3A_488 = arith.shli %parallel_loop3A_485, %parallel_loop3A_487 : vector<16xi32>
          %parallel_loop3A_489 = vector.bitcast %parallel_loop3A_488 : vector<16xi32> to vector<16xf32>
          %parallel_loop3A_490 = vector.bitcast %parallel_loop3A_485 : vector<16xi32> to vector<16xf32>
          %parallel_loop3A_491 = arith.addf %parallel_loop3A_405, %parallel_loop3A_489 : vector<16xf32>
          %parallel_loop3A_492 = arith.addf %parallel_loop3A_413, %parallel_loop3A_490 : vector<16xf32>
          %parallel_loop3A_493 = arith.index_cast %rem3A_196 : i32 to index
          %parallel_loop3A_494 = arith.index_cast %parallel_loop3A_415 : i32 to index
          %parallel_loop3A_495 = arith.constant 112 : index
          %parallel_loop3A_496 = tpu.vector_load %arg8[%parallel_loop3A_493, %parallel_loop3A_494, %parallel_loop3A_495] {strides = array<i32>} : memref<2x256x128xi32, #tpu.memory_space<vmem>>, vector<16xi32>,
          %parallel_loop3A_497 = arith.constant 16 : i32
          %parallel_loop3A_498 = vector.broadcast %parallel_loop3A_497 : i32 to vector<16xi32>
          %parallel_loop3A_499 = arith.shli %parallel_loop3A_496, %parallel_loop3A_498 : vector<16xi32>
          %parallel_loop3A_500 = vector.bitcast %parallel_loop3A_499 : vector<16xi32> to vector<16xf32>
          %parallel_loop3A_501 = vector.bitcast %parallel_loop3A_496 : vector<16xi32> to vector<16xf32>
          %parallel_loop3A_502 = arith.addf %parallel_loop3A_406, %parallel_loop3A_500 : vector<16xf32>
          %parallel_loop3A_503 = arith.addf %parallel_loop3A_414, %parallel_loop3A_501 : vector<16xf32>
          scf.yield %parallel_loop3A_425, %parallel_loop3A_436, %parallel_loop3A_447, %parallel_loop3A_458, %parallel_loop3A_469, %parallel_loop3A_480, %parallel_loop3A_491, %parallel_loop3A_502, %parallel_loop3A_426, %parallel_loop3A_437, %parallel_loop3A_448, %parallel_loop3A_459, %parallel_loop3A_470, %parallel_loop3A_481, %parallel_loop3A_492, %parallel_loop3A_503 : vector<16xf32>, vector<16xf32>, vector<16xf32>, vector<16xf32>, vector<16xf32>, vector<16xf32>, vector<16xf32>, vector<16xf32>, vector<16xf32>, vector<16xf32>, vector<16xf32>, vector<16xf32>, vector<16xf32>, vector<16xf32>, vector<16xf32>, vector<16xf32>
        } {sc.loop_unroll_factor = 2 : i64, sc.parallel_access}
        %div3A_322 = arith.constant 80 : i32
        %div3A_323 = arith.divsi %while3A_290, %div3A_322 : i32
        %rem3A_324 = arith.constant 2 : i32
        %rem3A_325 = arith.remsi %div3A_323, %rem3A_324 : i32
        %mul3A_326 = arith.constant 80 : i32
        %mul3A_327 = arith.muli %div3A_323, %mul3A_326 : i32
        %sub3A_328 = arith.subi %while3A_290, %mul3A_327 : i32
        %swap3A = arith.index_cast %rem3A_325 : i32 to index
        %swap3A_329 = arith.index_cast %sub3A_328 : i32 to index
        %swap3A_330 = arith.constant 0 : index
        %swap3A_331 = tpu.vector_load %arg9[%swap3A, %swap3A_329, %swap3A_330] {strides = array<i32>} : memref<2x80x256xf32, #tpu.memory_space<vmem>>, vector<16xf32>,
        tpu.vector_store %arg9[%swap3A, %swap3A_329, %swap3A_330], %parallel_loop3A_321#0 {strides = array<i32>} : memref<2x80x256xf32, #tpu.memory_space<vmem>>, vector<16xf32>,
        %swap3A_332 = arith.index_cast %rem3A_325 : i32 to index
        %swap3A_333 = arith.index_cast %sub3A_328 : i32 to index
        %swap3A_334 = arith.constant 16 : index
        %swap3A_335 = tpu.vector_load %arg9[%swap3A_332, %swap3A_333, %swap3A_334] {strides = array<i32>} : memref<2x80x256xf32, #tpu.memory_space<vmem>>, vector<16xf32>,
        tpu.vector_store %arg9[%swap3A_332, %swap3A_333, %swap3A_334], %parallel_loop3A_321#1 {strides = array<i32>} : memref<2x80x256xf32, #tpu.memory_space<vmem>>, vector<16xf32>,
        %swap3A_336 = arith.index_cast %rem3A_325 : i32 to index
        %swap3A_337 = arith.index_cast %sub3A_328 : i32 to index
        %swap3A_338 = arith.constant 32 : index
        %swap3A_339 = tpu.vector_load %arg9[%swap3A_336, %swap3A_337, %swap3A_338] {strides = array<i32>} : memref<2x80x256xf32, #tpu.memory_space<vmem>>, vector<16xf32>,
        tpu.vector_store %arg9[%swap3A_336, %swap3A_337, %swap3A_338], %parallel_loop3A_321#2 {strides = array<i32>} : memref<2x80x256xf32, #tpu.memory_space<vmem>>, vector<16xf32>,
        %swap3A_340 = arith.index_cast %rem3A_325 : i32 to index
        %swap3A_341 = arith.index_cast %sub3A_328 : i32 to index
        %swap3A_342 = arith.constant 48 : index
        %swap3A_343 = tpu.vector_load %arg9[%swap3A_340, %swap3A_341, %swap3A_342] {strides = array<i32>} : memref<2x80x256xf32, #tpu.memory_space<vmem>>, vector<16xf32>,
        tpu.vector_store %arg9[%swap3A_340, %swap3A_341, %swap3A_342], %parallel_loop3A_321#3 {strides = array<i32>} : memref<2x80x256xf32, #tpu.memory_space<vmem>>, vector<16xf32>,
        %swap3A_344 = arith.index_cast %rem3A_325 : i32 to index
        %swap3A_345 = arith.index_cast %sub3A_328 : i32 to index
        %swap3A_346 = arith.constant 64 : index
        %swap3A_347 = tpu.vector_load %arg9[%swap3A_344, %swap3A_345, %swap3A_346] {strides = array<i32>} : memref<2x80x256xf32, #tpu.memory_space<vmem>>, vector<16xf32>,
        tpu.vector_store %arg9[%swap3A_344, %swap3A_345, %swap3A_346], %parallel_loop3A_321#4 {strides = array<i32>} : memref<2x80x256xf32, #tpu.memory_space<vmem>>, vector<16xf32>,
        %swap3A_348 = arith.index_cast %rem3A_325 : i32 to index
        %swap3A_349 = arith.index_cast %sub3A_328 : i32 to index
        %swap3A_350 = arith.constant 80 : index
        %swap3A_351 = tpu.vector_load %arg9[%swap3A_348, %swap3A_349, %swap3A_350] {strides = array<i32>} : memref<2x80x256xf32, #tpu.memory_space<vmem>>, vector<16xf32>,
        tpu.vector_store %arg9[%swap3A_348, %swap3A_349, %swap3A_350], %parallel_loop3A_321#5 {strides = array<i32>} : memref<2x80x256xf32, #tpu.memory_space<vmem>>, vector<16xf32>,
        %swap3A_352 = arith.index_cast %rem3A_325 : i32 to index
        %swap3A_353 = arith.index_cast %sub3A_328 : i32 to index
        %swap3A_354 = arith.constant 96 : index
        %swap3A_355 = tpu.vector_load %arg9[%swap3A_352, %swap3A_353, %swap3A_354] {strides = array<i32>} : memref<2x80x256xf32, #tpu.memory_space<vmem>>, vector<16xf32>,
        tpu.vector_store %arg9[%swap3A_352, %swap3A_353, %swap3A_354], %parallel_loop3A_321#6 {strides = array<i32>} : memref<2x80x256xf32, #tpu.memory_space<vmem>>, vector<16xf32>,
        %swap3A_356 = arith.index_cast %rem3A_325 : i32 to index
        %swap3A_357 = arith.index_cast %sub3A_328 : i32 to index
        %swap3A_358 = arith.constant 112 : index
        %swap3A_359 = tpu.vector_load %arg9[%swap3A_356, %swap3A_357, %swap3A_358] {strides = array<i32>} : memref<2x80x256xf32, #tpu.memory_space<vmem>>, vector<16xf32>,
        tpu.vector_store %arg9[%swap3A_356, %swap3A_357, %swap3A_358], %parallel_loop3A_321#7 {strides = array<i32>} : memref<2x80x256xf32, #tpu.memory_space<vmem>>, vector<16xf32>,
        %swap3A_360 = arith.index_cast %rem3A_325 : i32 to index
        %swap3A_361 = arith.index_cast %sub3A_328 : i32 to index
        %swap3A_362 = arith.constant 128 : index
        %swap3A_363 = tpu.vector_load %arg9[%swap3A_360, %swap3A_361, %swap3A_362] {strides = array<i32>} : memref<2x80x256xf32, #tpu.memory_space<vmem>>, vector<16xf32>,
        tpu.vector_store %arg9[%swap3A_360, %swap3A_361, %swap3A_362], %parallel_loop3A_321#8 {strides = array<i32>} : memref<2x80x256xf32, #tpu.memory_space<vmem>>, vector<16xf32>,
        %swap3A_364 = arith.index_cast %rem3A_325 : i32 to index
        %swap3A_365 = arith.index_cast %sub3A_328 : i32 to index
        %swap3A_366 = arith.constant 144 : index
        %swap3A_367 = tpu.vector_load %arg9[%swap3A_364, %swap3A_365, %swap3A_366] {strides = array<i32>} : memref<2x80x256xf32, #tpu.memory_space<vmem>>, vector<16xf32>,
        tpu.vector_store %arg9[%swap3A_364, %swap3A_365, %swap3A_366], %parallel_loop3A_321#9 {strides = array<i32>} : memref<2x80x256xf32, #tpu.memory_space<vmem>>, vector<16xf32>,
        %swap3A_368 = arith.index_cast %rem3A_325 : i32 to index
        %swap3A_369 = arith.index_cast %sub3A_328 : i32 to index
        %swap3A_370 = arith.constant 160 : index
        %swap3A_371 = tpu.vector_load %arg9[%swap3A_368, %swap3A_369, %swap3A_370] {strides = array<i32>} : memref<2x80x256xf32, #tpu.memory_space<vmem>>, vector<16xf32>,
        tpu.vector_store %arg9[%swap3A_368, %swap3A_369, %swap3A_370], %parallel_loop3A_321#10 {strides = array<i32>} : memref<2x80x256xf32, #tpu.memory_space<vmem>>, vector<16xf32>,
        %swap3A_372 = arith.index_cast %rem3A_325 : i32 to index
        %swap3A_373 = arith.index_cast %sub3A_328 : i32 to index
        %swap3A_374 = arith.constant 176 : index
        %swap3A_375 = tpu.vector_load %arg9[%swap3A_372, %swap3A_373, %swap3A_374] {strides = array<i32>} : memref<2x80x256xf32, #tpu.memory_space<vmem>>, vector<16xf32>,
        tpu.vector_store %arg9[%swap3A_372, %swap3A_373, %swap3A_374], %parallel_loop3A_321#11 {strides = array<i32>} : memref<2x80x256xf32, #tpu.memory_space<vmem>>, vector<16xf32>,
        %swap3A_376 = arith.index_cast %rem3A_325 : i32 to index
        %swap3A_377 = arith.index_cast %sub3A_328 : i32 to index
        %swap3A_378 = arith.constant 192 : index
        %swap3A_379 = tpu.vector_load %arg9[%swap3A_376, %swap3A_377, %swap3A_378] {strides = array<i32>} : memref<2x80x256xf32, #tpu.memory_space<vmem>>, vector<16xf32>,
        tpu.vector_store %arg9[%swap3A_376, %swap3A_377, %swap3A_378], %parallel_loop3A_321#12 {strides = array<i32>} : memref<2x80x256xf32, #tpu.memory_space<vmem>>, vector<16xf32>,
        %swap3A_380 = arith.index_cast %rem3A_325 : i32 to index
        %swap3A_381 = arith.index_cast %sub3A_328 : i32 to index
        %swap3A_382 = arith.constant 208 : index
        %swap3A_383 = tpu.vector_load %arg9[%swap3A_380, %swap3A_381, %swap3A_382] {strides = array<i32>} : memref<2x80x256xf32, #tpu.memory_space<vmem>>, vector<16xf32>,
        tpu.vector_store %arg9[%swap3A_380, %swap3A_381, %swap3A_382], %parallel_loop3A_321#13 {strides = array<i32>} : memref<2x80x256xf32, #tpu.memory_space<vmem>>, vector<16xf32>,
        %swap3A_384 = arith.index_cast %rem3A_325 : i32 to index
        %swap3A_385 = arith.index_cast %sub3A_328 : i32 to index
        %swap3A_386 = arith.constant 224 : index
        %swap3A_387 = tpu.vector_load %arg9[%swap3A_384, %swap3A_385, %swap3A_386] {strides = array<i32>} : memref<2x80x256xf32, #tpu.memory_space<vmem>>, vector<16xf32>,
        tpu.vector_store %arg9[%swap3A_384, %swap3A_385, %swap3A_386], %parallel_loop3A_321#14 {strides = array<i32>} : memref<2x80x256xf32, #tpu.memory_space<vmem>>, vector<16xf32>,
        %swap3A_388 = arith.index_cast %rem3A_325 : i32 to index
        %swap3A_389 = arith.index_cast %sub3A_328 : i32 to index
        %swap3A_390 = arith.constant 240 : index
        %swap3A_391 = tpu.vector_load %arg9[%swap3A_388, %swap3A_389, %swap3A_390] {strides = array<i32>} : memref<2x80x256xf32, #tpu.memory_space<vmem>>, vector<16xf32>,
        tpu.vector_store %arg9[%swap3A_388, %swap3A_389, %swap3A_390], %parallel_loop3A_321#15 {strides = array<i32>} : memref<2x80x256xf32, #tpu.memory_space<vmem>>, vector<16xf32>,
        %eq3A = arith.constant 79 : i32
        %eq3A_392 = arith.cmpi eq, %sub3A_328, %eq3A : i32
        %convert_element_type3A_393 = arith.extui %eq3A_392 : i1 to i32
        %cond3A_394 = arith.constant 0 : i32
        %cond3A_395 = arith.cmpi ne, %convert_element_type3A_393, %cond3A_394 : i32
        scf.if %cond3A_395 {
          %mul3A_398 = arith.constant 80 : i32
          %mul3A_399 = arith.muli %div3A_323, %mul3A_398 : i32
          %add3A_400 = arith.addi %multiple_of3A, %mul3A_399 : i32
          %dma_start3A_401 = arith.constant 0 : i32
          %dma_start3A_402 = arith.constant 0 : i32
          %dma_start3A_403 = tpu.memref_slice %arg9[%rem3A_325, %dma_start3A_401, %dma_start3A_402] : memref<2x80x256xf32, #tpu.memory_space<vmem>> -> memref<1x80x256xf32, #tpu.memory_space<vmem>>
          %dma_start3A_404 = tpu.memref_squeeze %dma_start3A_403 : memref<1x80x256xf32, #tpu.memory_space<vmem>> -> memref<80x256xf32, #tpu.memory_space<vmem>>
          %dma_start3A_405 = arith.constant 0 : i32
          %dma_start3A_406 = tpu.memref_slice %arg5[%add3A_400, %dma_start3A_405] : memref<10000x256xf32, #tpu.memory_space<hbm>> -> memref<80x256xf32, #tpu.memory_space<hbm>>
          %dma_start3A_407 = tpu.memref_slice %arg12[%rem3A_325] : memref<2x!tpu.dma_semaphore, #tpu.memory_space<semaphore_mem>> -> memref<1x!tpu.dma_semaphore, #tpu.memory_space<semaphore_mem>>
          %dma_start3A_408 = tpu.memref_squeeze %dma_start3A_407 : memref<1x!tpu.dma_semaphore, #tpu.memory_space<semaphore_mem>> -> memref<!tpu.dma_semaphore, #tpu.memory_space<semaphore_mem>>
          %dma_start3A_409 = arith.constant 0 : i32
          %dma_start3A_410 = tpu.memref_slice %arg5[%add3A_400, %dma_start3A_409] : memref<10000x256xf32, #tpu.memory_space<hbm>> -> memref<80x256xf32, #tpu.memory_space<hbm>>
          %dma_start3A_411 = arith.constant 0 : i32
          %dma_start3A_412 = arith.constant 0 : i32
          %dma_start3A_413 = tpu.memref_slice %arg9[%rem3A_325, %dma_start3A_411, %dma_start3A_412] : memref<2x80x256xf32, #tpu.memory_space<vmem>> -> memref<1x80x256xf32, #tpu.memory_space<vmem>>
          %dma_start3A_414 = tpu.memref_squeeze %dma_start3A_413 : memref<1x80x256xf32, #tpu.memory_space<vmem>> -> memref<80x256xf32, #tpu.memory_space<vmem>>
          tpu.enqueue_dma source(%dma_start3A_414 : memref<80x256xf32, #tpu.memory_space<vmem>>) target(%dma_start3A_410 : memref<80x256xf32, #tpu.memory_space<hbm>>) target_semaphore(%dma_start3A_408 : memref<!tpu.dma_semaphore, #tpu.memory_space<semaphore_mem>>)
          %gt3A_415 = arith.constant 0 : i32
          %gt3A_416 = arith.cmpi sgt, %div3A_323, %gt3A_415 : i32
          %convert_element_type3A_417 = arith.extui %gt3A_416 : i1 to i32
          %cond3A_418 = arith.constant 0 : i32
          %cond3A_419 = arith.cmpi ne, %convert_element_type3A_417, %cond3A_418 : i32
          scf.if %cond3A_419 {
            %sub3A_420 = arith.constant 1 : i32
            %sub3A_421 = arith.subi %sub3A_420, %rem3A_325 : i32
            %add3A_422 = arith.constant 0 : i32
            %add3A_423 = arith.addi %multiple_of3A, %add3A_422 : i32
            %dma_wait3A_424 = arith.constant 0 : i32
            %dma_wait3A_425 = arith.constant 0 : i32
            %dma_wait3A_426 = tpu.memref_slice %arg9[%sub3A_421, %dma_wait3A_424, %dma_wait3A_425] : memref<2x80x256xf32, #tpu.memory_space<vmem>> -> memref<1x80x256xf32, #tpu.memory_space<vmem>>
            %dma_wait3A_427 = tpu.memref_squeeze %dma_wait3A_426 : memref<1x80x256xf32, #tpu.memory_space<vmem>> -> memref<80x256xf32, #tpu.memory_space<vmem>>
            %dma_wait3A_428 = arith.constant 0 : i32
            %dma_wait3A_429 = tpu.memref_slice %arg5[%add3A_423, %dma_wait3A_428] : memref<10000x256xf32, #tpu.memory_space<hbm>> -> memref<80x256xf32, #tpu.memory_space<hbm>>
            %dma_wait3A_430 = tpu.memref_slice %arg12[%sub3A_421] : memref<2x!tpu.dma_semaphore, #tpu.memory_space<semaphore_mem>> -> memref<1x!tpu.dma_semaphore, #tpu.memory_space<semaphore_mem>>
            %dma_wait3A_431 = tpu.memref_squeeze %dma_wait3A_430 : memref<1x!tpu.dma_semaphore, #tpu.memory_space<semaphore_mem>> -> memref<!tpu.dma_semaphore, #tpu.memory_space<semaphore_mem>>
            %dma_wait3A_432 = arith.constant 0 : i32
            %dma_wait3A_433 = tpu.memref_slice %arg5[%add3A_423, %dma_wait3A_432] : memref<10000x256xf32, #tpu.memory_space<hbm>> -> memref<80x256xf32, #tpu.memory_space<hbm>>
            %dma_wait3A_434 = arith.constant 0 : i32
            %dma_wait3A_435 = arith.constant 0 : i32
            %dma_wait3A_436 = tpu.memref_slice %arg9[%sub3A_421, %dma_wait3A_434, %dma_wait3A_435] : memref<2x80x256xf32, #tpu.memory_space<vmem>> -> memref<1x80x256xf32, #tpu.memory_space<vmem>>
            %dma_wait3A_437 = tpu.memref_squeeze %dma_wait3A_436 : memref<1x80x256xf32, #tpu.memory_space<vmem>> -> memref<80x256xf32, #tpu.memory_space<vmem>>
            tpu.wait_dma2 semaphore(%dma_wait3A_431 : memref<!tpu.dma_semaphore, #tpu.memory_space<semaphore_mem>>) src(%dma_wait3A_437 : memref<80x256xf32, #tpu.memory_space<vmem>>) dst(%dma_wait3A_433 : memref<80x256xf32, #tpu.memory_space<hbm>>)
          } else {
          }
        } else {
        }
        %add3A_396 = arith.constant 1 : i32
        %add3A_397 = arith.addi %while3A_290, %add3A_396 : i32
        scf.yield %add3A_397, %broadcast_in_dim3A_31, %broadcast_in_dim3A_33, %broadcast_in_dim3A_35, %broadcast_in_dim3A_37, %broadcast_in_dim3A_39, %broadcast_in_dim3A_41, %broadcast_in_dim3A_43, %broadcast_in_dim3A_45, %broadcast_in_dim3A_47, %broadcast_in_dim3A_49, %broadcast_in_dim3A_51, %broadcast_in_dim3A_53, %broadcast_in_dim3A_55, %broadcast_in_dim3A_57, %broadcast_in_dim3A_59, %broadcast_in_dim3A_61 : i32, vector<16xf32>, vector<16xf32>, vector<16xf32>, vector<16xf32>, vector<16xf32>, vector<16xf32>, vector<16xf32>, vector<16xf32>, vector<16xf32>, vector<16xf32>, vector<16xf32>, vector<16xf32>, vector<16xf32>, vector<16xf32>, vector<16xf32>, vector<16xf32>
      }
      %min3A_271 = arith.constant 319 : i32
      %min3A_272 = arith.minsi %while3A_270#0, %min3A_271 : i32
      %add3A_273 = arith.addi %sub3A, %min3A_272 : i32
      %get3A_274 = arith.index_cast %add3A_273 : i32 to index
      %get3A_275 = tpu.vector_load %arg6[%get3A_274] {strides = array<i32>} : memref<360xi32, #tpu.memory_space<vmem>>, vector<16xi32>,
      %slice3A_276 = vector.extract_strided_slice %get3A_275 {offsets = [0], sizes = [1], strides = [1]} : vector<16xi32> to vector<1xi32>
      %squeeze3A_277 = vector.extract %slice3A_276[0] : i32 from vector<1xi32>
      %max3A_278 = arith.maxsi %squeeze3A_277, %add3A_261 : i32
      %lt3A = arith.constant 320 : i32
      %lt3A_279 = arith.cmpi slt, %while3A_270#0, %lt3A : i32
      %add3A_280 = arith.constant 1 : i32
      %add3A_281 = arith.addi %min3A_272, %add3A_280 : i32
      %add3A_282 = arith.addi %sub3A, %add3A_281 : i32
      %get3A_283 = arith.index_cast %add3A_282 : i32 to index
      %get3A_284 = tpu.vector_load %arg6[%get3A_283] {strides = array<i32>} : memref<360xi32, #tpu.memory_space<vmem>>, vector<16xi32>,
      %slice3A_285 = vector.extract_strided_slice %get3A_284 {offsets = [0], sizes = [1], strides = [1]} : vector<16xi32> to vector<1xi32>
      %squeeze3A_286 = vector.extract %slice3A_285[0] : i32 from vector<1xi32>
      %min3A_287 = arith.minsi %squeeze3A_286, %add3A_263 : i32
      %select_n3A = arith.select %lt3A_279, %min3A_287, %max3A_278 : i32
      %min3A_288 = arith.minsi %max3A_278, %select_n3A : i32
      %parallel_loop3A = arith.constant 1 : i32
      %parallel_loop3A_289:16 = scf.for %parallel_loop3A_290 = %min3A_288 to %select_n3A step %parallel_loop3A iter_args(%parallel_loop3A_291 = %while3A_270#1, %parallel_loop3A_292 = %while3A_270#2, %parallel_loop3A_293 = %while3A_270#3, %parallel_loop3A_294 = %while3A_270#4, %parallel_loop3A_295 = %while3A_270#5, %parallel_loop3A_296 = %while3A_270#6, %parallel_loop3A_297 = %while3A_270#7, %parallel_loop3A_298 = %while3A_270#8, %parallel_loop3A_299 = %while3A_270#9, %parallel_loop3A_300 = %while3A_270#10, %parallel_loop3A_301 = %while3A_270#11, %parallel_loop3A_302 = %while3A_270#12, %parallel_loop3A_303 = %while3A_270#13, %parallel_loop3A_304 = %while3A_270#14, %parallel_loop3A_305 = %while3A_270#15, %parallel_loop3A_306 = %while3A_270#16) -> (vector<16xf32>, vector<16xf32>, vector<16xf32>, vector<16xf32>, vector<16xf32>, vector<16xf32>, vector<16xf32>, vector<16xf32>, vector<16xf32>, vector<16xf32>, vector<16xf32>, vector<16xf32>, vector<16xf32>, vector<16xf32>, vector<16xf32>, vector<16xf32>)  : i32 {
        %parallel_loop3A_307 = arith.subi %parallel_loop3A_290, %multiple_of3A_269 : i32
        %parallel_loop3A_308 = arith.index_cast %rem3A_196 : i32 to index
        %parallel_loop3A_309 = arith.index_cast %parallel_loop3A_307 : i32 to index
        %parallel_loop3A_310 = arith.constant 0 : index
        %parallel_loop3A_311 = tpu.vector_load %arg8[%parallel_loop3A_308, %parallel_loop3A_309, %parallel_loop3A_310] {strides = array<i32>} : memref<2x256x128xi32, #tpu.memory_space<vmem>>, vector<16xi32>,
        %parallel_loop3A_312 = arith.constant 16 : i32
        %parallel_loop3A_313 = vector.broadcast %parallel_loop3A_312 : i32 to vector<16xi32>
        %parallel_loop3A_314 = arith.shli %parallel_loop3A_311, %parallel_loop3A_313 : vector<16xi32>
        %parallel_loop3A_315 = vector.bitcast %parallel_loop3A_314 : vector<16xi32> to vector<16xf32>
        %parallel_loop3A_316 = vector.bitcast %parallel_loop3A_311 : vector<16xi32> to vector<16xf32>
        %parallel_loop3A_317 = arith.addf %parallel_loop3A_291, %parallel_loop3A_315 : vector<16xf32>
        %parallel_loop3A_318 = arith.addf %parallel_loop3A_299, %parallel_loop3A_316 : vector<16xf32>
        %parallel_loop3A_319 = arith.index_cast %rem3A_196 : i32 to index
        %parallel_loop3A_320 = arith.index_cast %parallel_loop3A_307 : i32 to index
        %parallel_loop3A_321 = arith.constant 16 : index
        %parallel_loop3A_322 = tpu.vector_load %arg8[%parallel_loop3A_319, %parallel_loop3A_320, %parallel_loop3A_321] {strides = array<i32>} : memref<2x256x128xi32, #tpu.memory_space<vmem>>, vector<16xi32>,
        %parallel_loop3A_323 = arith.constant 16 : i32
        %parallel_loop3A_324 = vector.broadcast %parallel_loop3A_323 : i32 to vector<16xi32>
        %parallel_loop3A_325 = arith.shli %parallel_loop3A_322, %parallel_loop3A_324 : vector<16xi32>
        %parallel_loop3A_326 = vector.bitcast %parallel_loop3A_325 : vector<16xi32> to vector<16xf32>
        %parallel_loop3A_327 = vector.bitcast %parallel_loop3A_322 : vector<16xi32> to vector<16xf32>
        %parallel_loop3A_328 = arith.addf %parallel_loop3A_292, %parallel_loop3A_326 : vector<16xf32>
        %parallel_loop3A_329 = arith.addf %parallel_loop3A_300, %parallel_loop3A_327 : vector<16xf32>
        %parallel_loop3A_330 = arith.index_cast %rem3A_196 : i32 to index
        %parallel_loop3A_331 = arith.index_cast %parallel_loop3A_307 : i32 to index
        %parallel_loop3A_332 = arith.constant 32 : index
        %parallel_loop3A_333 = tpu.vector_load %arg8[%parallel_loop3A_330, %parallel_loop3A_331, %parallel_loop3A_332] {strides = array<i32>} : memref<2x256x128xi32, #tpu.memory_space<vmem>>, vector<16xi32>,
        %parallel_loop3A_334 = arith.constant 16 : i32
        %parallel_loop3A_335 = vector.broadcast %parallel_loop3A_334 : i32 to vector<16xi32>
        %parallel_loop3A_336 = arith.shli %parallel_loop3A_333, %parallel_loop3A_335 : vector<16xi32>
        %parallel_loop3A_337 = vector.bitcast %parallel_loop3A_336 : vector<16xi32> to vector<16xf32>
        %parallel_loop3A_338 = vector.bitcast %parallel_loop3A_333 : vector<16xi32> to vector<16xf32>
        %parallel_loop3A_339 = arith.addf %parallel_loop3A_293, %parallel_loop3A_337 : vector<16xf32>
        %parallel_loop3A_340 = arith.addf %parallel_loop3A_301, %parallel_loop3A_338 : vector<16xf32>
        %parallel_loop3A_341 = arith.index_cast %rem3A_196 : i32 to index
        %parallel_loop3A_342 = arith.index_cast %parallel_loop3A_307 : i32 to index
        %parallel_loop3A_343 = arith.constant 48 : index
        %parallel_loop3A_344 = tpu.vector_load %arg8[%parallel_loop3A_341, %parallel_loop3A_342, %parallel_loop3A_343] {strides = array<i32>} : memref<2x256x128xi32, #tpu.memory_space<vmem>>, vector<16xi32>,
        %parallel_loop3A_345 = arith.constant 16 : i32
        %parallel_loop3A_346 = vector.broadcast %parallel_loop3A_345 : i32 to vector<16xi32>
        %parallel_loop3A_347 = arith.shli %parallel_loop3A_344, %parallel_loop3A_346 : vector<16xi32>
        %parallel_loop3A_348 = vector.bitcast %parallel_loop3A_347 : vector<16xi32> to vector<16xf32>
        %parallel_loop3A_349 = vector.bitcast %parallel_loop3A_344 : vector<16xi32> to vector<16xf32>
        %parallel_loop3A_350 = arith.addf %parallel_loop3A_294, %parallel_loop3A_348 : vector<16xf32>
        %parallel_loop3A_351 = arith.addf %parallel_loop3A_302, %parallel_loop3A_349 : vector<16xf32>
        %parallel_loop3A_352 = arith.index_cast %rem3A_196 : i32 to index
        %parallel_loop3A_353 = arith.index_cast %parallel_loop3A_307 : i32 to index
        %parallel_loop3A_354 = arith.constant 64 : index
        %parallel_loop3A_355 = tpu.vector_load %arg8[%parallel_loop3A_352, %parallel_loop3A_353, %parallel_loop3A_354] {strides = array<i32>} : memref<2x256x128xi32, #tpu.memory_space<vmem>>, vector<16xi32>,
        %parallel_loop3A_356 = arith.constant 16 : i32
        %parallel_loop3A_357 = vector.broadcast %parallel_loop3A_356 : i32 to vector<16xi32>
        %parallel_loop3A_358 = arith.shli %parallel_loop3A_355, %parallel_loop3A_357 : vector<16xi32>
        %parallel_loop3A_359 = vector.bitcast %parallel_loop3A_358 : vector<16xi32> to vector<16xf32>
        %parallel_loop3A_360 = vector.bitcast %parallel_loop3A_355 : vector<16xi32> to vector<16xf32>
        %parallel_loop3A_361 = arith.addf %parallel_loop3A_295, %parallel_loop3A_359 : vector<16xf32>
        %parallel_loop3A_362 = arith.addf %parallel_loop3A_303, %parallel_loop3A_360 : vector<16xf32>
        %parallel_loop3A_363 = arith.index_cast %rem3A_196 : i32 to index
        %parallel_loop3A_364 = arith.index_cast %parallel_loop3A_307 : i32 to index
        %parallel_loop3A_365 = arith.constant 80 : index
        %parallel_loop3A_366 = tpu.vector_load %arg8[%parallel_loop3A_363, %parallel_loop3A_364, %parallel_loop3A_365] {strides = array<i32>} : memref<2x256x128xi32, #tpu.memory_space<vmem>>, vector<16xi32>,
        %parallel_loop3A_367 = arith.constant 16 : i32
        %parallel_loop3A_368 = vector.broadcast %parallel_loop3A_367 : i32 to vector<16xi32>
        %parallel_loop3A_369 = arith.shli %parallel_loop3A_366, %parallel_loop3A_368 : vector<16xi32>
        %parallel_loop3A_370 = vector.bitcast %parallel_loop3A_369 : vector<16xi32> to vector<16xf32>
        %parallel_loop3A_371 = vector.bitcast %parallel_loop3A_366 : vector<16xi32> to vector<16xf32>
        %parallel_loop3A_372 = arith.addf %parallel_loop3A_296, %parallel_loop3A_370 : vector<16xf32>
        %parallel_loop3A_373 = arith.addf %parallel_loop3A_304, %parallel_loop3A_371 : vector<16xf32>
        %parallel_loop3A_374 = arith.index_cast %rem3A_196 : i32 to index
        %parallel_loop3A_375 = arith.index_cast %parallel_loop3A_307 : i32 to index
        %parallel_loop3A_376 = arith.constant 96 : index
        %parallel_loop3A_377 = tpu.vector_load %arg8[%parallel_loop3A_374, %parallel_loop3A_375, %parallel_loop3A_376] {strides = array<i32>} : memref<2x256x128xi32, #tpu.memory_space<vmem>>, vector<16xi32>,
        %parallel_loop3A_378 = arith.constant 16 : i32
        %parallel_loop3A_379 = vector.broadcast %parallel_loop3A_378 : i32 to vector<16xi32>
        %parallel_loop3A_380 = arith.shli %parallel_loop3A_377, %parallel_loop3A_379 : vector<16xi32>
        %parallel_loop3A_381 = vector.bitcast %parallel_loop3A_380 : vector<16xi32> to vector<16xf32>
        %parallel_loop3A_382 = vector.bitcast %parallel_loop3A_377 : vector<16xi32> to vector<16xf32>
        %parallel_loop3A_383 = arith.addf %parallel_loop3A_297, %parallel_loop3A_381 : vector<16xf32>
        %parallel_loop3A_384 = arith.addf %parallel_loop3A_305, %parallel_loop3A_382 : vector<16xf32>
        %parallel_loop3A_385 = arith.index_cast %rem3A_196 : i32 to index
        %parallel_loop3A_386 = arith.index_cast %parallel_loop3A_307 : i32 to index
        %parallel_loop3A_387 = arith.constant 112 : index
        %parallel_loop3A_388 = tpu.vector_load %arg8[%parallel_loop3A_385, %parallel_loop3A_386, %parallel_loop3A_387] {strides = array<i32>} : memref<2x256x128xi32, #tpu.memory_space<vmem>>, vector<16xi32>,
        %parallel_loop3A_389 = arith.constant 16 : i32
        %parallel_loop3A_390 = vector.broadcast %parallel_loop3A_389 : i32 to vector<16xi32>
        %parallel_loop3A_391 = arith.shli %parallel_loop3A_388, %parallel_loop3A_390 : vector<16xi32>
        %parallel_loop3A_392 = vector.bitcast %parallel_loop3A_391 : vector<16xi32> to vector<16xf32>
        %parallel_loop3A_393 = vector.bitcast %parallel_loop3A_388 : vector<16xi32> to vector<16xf32>
        %parallel_loop3A_394 = arith.addf %parallel_loop3A_298, %parallel_loop3A_392 : vector<16xf32>
        %parallel_loop3A_395 = arith.addf %parallel_loop3A_306, %parallel_loop3A_393 : vector<16xf32>
        scf.yield %parallel_loop3A_317, %parallel_loop3A_328, %parallel_loop3A_339, %parallel_loop3A_350, %parallel_loop3A_361, %parallel_loop3A_372, %parallel_loop3A_383, %parallel_loop3A_394, %parallel_loop3A_318, %parallel_loop3A_329, %parallel_loop3A_340, %parallel_loop3A_351, %parallel_loop3A_362, %parallel_loop3A_373, %parallel_loop3A_384, %parallel_loop3A_395 : vector<16xf32>, vector<16xf32>, vector<16xf32>, vector<16xf32>, vector<16xf32>, vector<16xf32>, vector<16xf32>, vector<16xf32>, vector<16xf32>, vector<16xf32>, vector<16xf32>, vector<16xf32>, vector<16xf32>, vector<16xf32>, vector<16xf32>, vector<16xf32>
      } {sc.loop_unroll_factor = 2 : i64, sc.parallel_access}
      scf.yield %while3A_270#0, %parallel_loop3A_289#0, %parallel_loop3A_289#1, %parallel_loop3A_289#2, %parallel_loop3A_289#3, %parallel_loop3A_289#4, %parallel_loop3A_289#5, %parallel_loop3A_289#6, %parallel_loop3A_289#7, %parallel_loop3A_289#8, %parallel_loop3A_289#9, %parallel_loop3A_289#10, %parallel_loop3A_289#11, %parallel_loop3A_289#12, %parallel_loop3A_289#13, %parallel_loop3A_289#14, %parallel_loop3A_289#15 : i32, vector<16xf32>, vector<16xf32>, vector<16xf32>, vector<16xf32>, vector<16xf32>, vector<16xf32>, vector<16xf32>, vector<16xf32>, vector<16xf32>, vector<16xf32>, vector<16xf32>, vector<16xf32>, vector<16xf32>, vector<16xf32>, vector<16xf32>, vector<16xf32>
    }
    %while3A_124 = arith.constant 1 : i32
    %while3A_125:17 = scf.for %while3A_177 = %while3A_121 to %while3A_117 step %while3A_124 iter_args(%while3A_178 = %while3A_123#0, %while3A_179 = %while3A_123#1, %while3A_180 = %while3A_123#2, %while3A_181 = %while3A_123#3, %while3A_182 = %while3A_123#4, %while3A_183 = %while3A_123#5, %while3A_184 = %while3A_123#6, %while3A_185 = %while3A_123#7, %while3A_186 = %while3A_123#8, %while3A_187 = %while3A_123#9, %while3A_188 = %while3A_123#10, %while3A_189 = %while3A_123#11, %while3A_190 = %while3A_123#12, %while3A_191 = %while3A_123#13, %while3A_192 = %while3A_123#14, %while3A_193 = %while3A_123#15, %while3A_194 = %while3A_123#16) -> (i32, vector<16xf32>, vector<16xf32>, vector<16xf32>, vector<16xf32>, vector<16xf32>, vector<16xf32>, vector<16xf32>, vector<16xf32>, vector<16xf32>, vector<16xf32>, vector<16xf32>, vector<16xf32>, vector<16xf32>, vector<16xf32>, vector<16xf32>, vector<16xf32>)  : i32 {
      %rem3A_195 = arith.constant 2 : i32
      %rem3A_196 = arith.remsi %while3A_177, %rem3A_195 : i32
      %sub3A_197 = arith.constant 1 : i32
      %sub3A_198 = arith.subi %sub3A_197, %rem3A_196 : i32
      %add3A_199 = arith.constant 1 : i32
      %add3A_200 = arith.addi %while3A_177, %add3A_199 : i32
      %mul3A_201 = arith.constant 256 : i32
      %mul3A_202 = arith.muli %add3A_200, %mul3A_201 : i32
      %add3A_203 = arith.addi %sub3A_19, %mul3A_202 : i32
      %min3A_204 = arith.constant 159744 : i32
      %min3A_205 = arith.minsi %add3A_203, %min3A_204 : i32
      %multiple_of3A_206 = tpu.assume_multiple %min3A_205, 8 : i32
      %mul3A_207 = arith.constant 256 : i32
      %mul3A_208 = arith.muli %sub3A_198, %mul3A_207 : i32
      %dma_wait3A_209 = tpu.memref_slice %arg7[%mul3A_208] : memref<512xi32, #tpu.memory_space<vmem>> -> memref<256xi32, #tpu.memory_space<vmem>>
      %dma_wait3A_210 = tpu.memref_slice %arg4[%multiple_of3A_206] : memref<160000xi32, #tpu.memory_space<hbm>> -> memref<256xi32, #tpu.memory_space<hbm>>
      %dma_wait3A_211 = tpu.memref_slice %arg11[%sub3A_198] : memref<2x!tpu.dma_semaphore, #tpu.memory_space<semaphore_mem>> -> memref<1x!tpu.dma_semaphore, #tpu.memory_space<semaphore_mem>>
      %dma_wait3A_212 = tpu.memref_squeeze %dma_wait3A_211 : memref<1x!tpu.dma_semaphore, #tpu.memory_space<semaphore_mem>> -> memref<!tpu.dma_semaphore, #tpu.memory_space<semaphore_mem>>
      %dma_wait3A_213 = tpu.memref_slice %arg7[%mul3A_208] : memref<512xi32, #tpu.memory_space<vmem>> -> memref<256xi32, #tpu.memory_space<vmem>>
      %dma_wait3A_214 = tpu.memref_slice %arg4[%multiple_of3A_206] : memref<160000xi32, #tpu.memory_space<hbm>> -> memref<256xi32, #tpu.memory_space<hbm>>
      tpu.wait_dma2 semaphore(%dma_wait3A_212 : memref<!tpu.dma_semaphore, #tpu.memory_space<semaphore_mem>>) src(%dma_wait3A_214 : memref<256xi32, #tpu.memory_space<hbm>>) dst(%dma_wait3A_213 : memref<256xi32, #tpu.memory_space<vmem>>)
      %mul3A_215 = arith.constant 256 : i32
      %mul3A_216 = arith.muli %sub3A_198, %mul3A_215 : i32
      %dma_start3A_217 = arith.constant 0 : i32
      %dma_start3A_218 = arith.constant 0 : i32
      %dma_start3A_219 = tpu.memref_slice %arg8[%sub3A_198, %dma_start3A_217, %dma_start3A_218] : memref<2x256x128xi32, #tpu.memory_space<vmem>> -> memref<1x256x128xi32, #tpu.memory_space<vmem>>
      %dma_start3A_220 = tpu.memref_squeeze %dma_start3A_219 : memref<1x256x128xi32, #tpu.memory_space<vmem>> -> memref<256x128xi32, #tpu.memory_space<vmem>>
      %dma_start3A_221 = tpu.memref_slice %arg7[%mul3A_216] : memref<512xi32, #tpu.memory_space<vmem>> -> memref<256xi32, #tpu.memory_space<vmem>>
      %dma_start3A_222 = arith.constant 0 : i32
      %dma_start3A_223 = arith.constant 0 : i32
      %dma_start3A_224 = tpu.memref_slice %arg2[%dma_start3A_222, %dma_start3A_223] : memref<10000x128xi32, #tpu.memory_space<hbm>> -> memref<10000x128xi32, #tpu.memory_space<hbm>>
      %dma_start3A_225 = tpu.memref_slice %arg10[%sub3A_198] : memref<2x!tpu.dma_semaphore, #tpu.memory_space<semaphore_mem>> -> memref<1x!tpu.dma_semaphore, #tpu.memory_space<semaphore_mem>>
      %dma_start3A_226 = tpu.memref_squeeze %dma_start3A_225 : memref<1x!tpu.dma_semaphore, #tpu.memory_space<semaphore_mem>> -> memref<!tpu.dma_semaphore, #tpu.memory_space<semaphore_mem>>
      tpu.enqueue_indirect_dma source(%dma_start3A_224 : memref<10000x128xi32, #tpu.memory_space<hbm>>) target(%dma_start3A_220 : memref<256x128xi32, #tpu.memory_space<vmem>>) offsets(%dma_start3A_221 : memref<256xi32, #tpu.memory_space<vmem>>) semaphore(%dma_start3A_226 : memref<!tpu.dma_semaphore, #tpu.memory_space<semaphore_mem>>)
      %dma_wait3A_227 = arith.constant 0 : i32
      %dma_wait3A_228 = arith.constant 0 : i32
      %dma_wait3A_229 = tpu.memref_slice %arg8[%rem3A_196, %dma_wait3A_227, %dma_wait3A_228] : memref<2x256x128xi32, #tpu.memory_space<vmem>> -> memref<1x256x128xi32, #tpu.memory_space<vmem>>
      %dma_wait3A_230 = tpu.memref_squeeze %dma_wait3A_229 : memref<1x256x128xi32, #tpu.memory_space<vmem>> -> memref<256x128xi32, #tpu.memory_space<vmem>>
      %dma_wait3A_231 = arith.constant 0 : i32
      %dma_wait3A_232 = arith.constant 0 : i32
      %dma_wait3A_233 = tpu.memref_slice %arg2[%dma_wait3A_231, %dma_wait3A_232] : memref<10000x128xi32, #tpu.memory_space<hbm>> -> memref<256x128xi32, #tpu.memory_space<hbm>>
      %dma_wait3A_234 = tpu.memref_slice %arg10[%rem3A_196] : memref<2x!tpu.dma_semaphore, #tpu.memory_space<semaphore_mem>> -> memref<1x!tpu.dma_semaphore, #tpu.memory_space<semaphore_mem>>
      %dma_wait3A_235 = tpu.memref_squeeze %dma_wait3A_234 : memref<1x!tpu.dma_semaphore, #tpu.memory_space<semaphore_mem>> -> memref<!tpu.dma_semaphore, #tpu.memory_space<semaphore_mem>>
      %dma_wait3A_236 = arith.constant 0 : i32
      %dma_wait3A_237 = arith.constant 0 : i32
      %dma_wait3A_238 = tpu.memref_slice %arg8[%rem3A_196, %dma_wait3A_236, %dma_wait3A_237] : memref<2x256x128xi32, #tpu.memory_space<vmem>> -> memref<1x256x128xi32, #tpu.memory_space<vmem>>
      %dma_wait3A_239 = tpu.memref_squeeze %dma_wait3A_238 : memref<1x256x128xi32, #tpu.memory_space<vmem>> -> memref<256x128xi32, #tpu.memory_space<vmem>>
      %dma_wait3A_240 = arith.constant 0 : i32
      %dma_wait3A_241 = arith.constant 0 : i32
      %dma_wait3A_242 = tpu.memref_slice %arg2[%dma_wait3A_240, %dma_wait3A_241] : memref<10000x128xi32, #tpu.memory_space<hbm>> -> memref<256x128xi32, #tpu.memory_space<hbm>>
      tpu.wait_dma2 semaphore(%dma_wait3A_235 : memref<!tpu.dma_semaphore, #tpu.memory_space<semaphore_mem>>) src(%dma_wait3A_242 : memref<256x128xi32, #tpu.memory_space<hbm>>) dst(%dma_wait3A_239 : memref<256x128xi32, #tpu.memory_space<vmem>>)
      %add3A_243 = arith.constant 2 : i32
      %add3A_244 = arith.addi %while3A_177, %add3A_243 : i32
      %mul3A_245 = arith.constant 256 : i32
      %mul3A_246 = arith.muli %add3A_244, %mul3A_245 : i32
      %add3A_247 = arith.addi %sub3A_19, %mul3A_246 : i32
      %min3A_248 = arith.constant 159744 : i32
      %min3A_249 = arith.minsi %add3A_247, %min3A_248 : i32
      %multiple_of3A_250 = tpu.assume_multiple %min3A_249, 8 : i32
      %mul3A_251 = arith.constant 256 : i32
      %mul3A_252 = arith.muli %rem3A_196, %mul3A_251 : i32
      %dma_start3A_253 = tpu.memref_slice %arg7[%mul3A_252] : memref<512xi32, #tpu.memory_space<vmem>> -> memref<256xi32, #tpu.memory_space<vmem>>
      %dma_start3A_254 = tpu.memref_slice %arg4[%multiple_of3A_250] : memref<160000xi32, #tpu.memory_space<hbm>> -> memref<256xi32, #tpu.memory_space<hbm>>
      %dma_start3A_255 = tpu.memref_slice %arg11[%rem3A_196] : memref<2x!tpu.dma_semaphore, #tpu.memory_space<semaphore_mem>> -> memref<1x!tpu.dma_semaphore, #tpu.memory_space<semaphore_mem>>
      %dma_start3A_256 = tpu.memref_squeeze %dma_start3A_255 : memref<1x!tpu.dma_semaphore, #tpu.memory_space<semaphore_mem>> -> memref<!tpu.dma_semaphore, #tpu.memory_space<semaphore_mem>>
      %dma_start3A_257 = tpu.memref_slice %arg7[%mul3A_252] : memref<512xi32, #tpu.memory_space<vmem>> -> memref<256xi32, #tpu.memory_space<vmem>>
      %dma_start3A_258 = tpu.memref_slice %arg4[%multiple_of3A_250] : memref<160000xi32, #tpu.memory_space<hbm>> -> memref<256xi32, #tpu.memory_space<hbm>>
      tpu.enqueue_dma source(%dma_start3A_258 : memref<256xi32, #tpu.memory_space<hbm>>) target(%dma_start3A_257 : memref<256xi32, #tpu.memory_space<vmem>>) target_semaphore(%dma_start3A_256 : memref<!tpu.dma_semaphore, #tpu.memory_space<semaphore_mem>>)
      %mul3A_259 = arith.constant 256 : i32
      %mul3A_260 = arith.muli %while3A_177, %mul3A_259 : i32
      %add3A_261 = arith.addi %sub3A_19, %mul3A_260 : i32
      %add3A_262 = arith.constant 256 : i32
      %add3A_263 = arith.addi %add3A_261, %add3A_262 : i32
      %mul3A_264 = arith.constant 256 : i32
      %mul3A_265 = arith.muli %while3A_177, %mul3A_264 : i32
      %add3A_266 = arith.addi %sub3A_19, %mul3A_265 : i32
      %min3A_267 = arith.constant 159744 : i32
      %min3A_268 = arith.minsi %add3A_266, %min3A_267 : i32
      %multiple_of3A_269 = tpu.assume_multiple %min3A_268, 8 : i32
      %while3A_270:17 = scf.while (%while3A_290 = %while3A_178, %while3A_291 = %while3A_179, %while3A_292 = %while3A_180, %while3A_293 = %while3A_181, %while3A_294 = %while3A_182, %while3A_295 = %while3A_183, %while3A_296 = %while3A_184, %while3A_297 = %while3A_185, %while3A_298 = %while3A_186, %while3A_299 = %while3A_187, %while3A_300 = %while3A_188, %while3A_301 = %while3A_189, %while3A_302 = %while3A_190, %while3A_303 = %while3A_191, %while3A_304 = %while3A_192, %while3A_305 = %while3A_193, %while3A_306 = %while3A_194) : (i32, vector<16xf32>, vector<16xf32>, vector<16xf32>, vector<16xf32>, vector<16xf32>, vector<16xf32>, vector<16xf32>, vector<16xf32>, vector<16xf32>, vector<16xf32>, vector<16xf32>, vector<16xf32>, vector<16xf32>, vector<16xf32>, vector<16xf32>, vector<16xf32>) -> (i32, vector<16xf32>, vector<16xf32>, vector<16xf32>, vector<16xf32>, vector<16xf32>, vector<16xf32>, vector<16xf32>, vector<16xf32>, vector<16xf32>, vector<16xf32>, vector<16xf32>, vector<16xf32>, vector<16xf32>, vector<16xf32>, vector<16xf32>, vector<16xf32>) {
        %lt3A_307 = arith.constant 320 : i32
        %lt3A_308 = arith.cmpi slt, %while3A_290, %lt3A_307 : i32
        %add3A_309 = arith.constant 1 : i32
        %add3A_310 = arith.addi %while3A_290, %add3A_309 : i32
        %add3A_311 = arith.addi %sub3A, %add3A_310 : i32
        %get3A_312 = arith.index_cast %add3A_311 : i32 to index
        %get3A_313 = tpu.vector_load %arg6[%get3A_312] {strides = array<i32>} : memref<360xi32, #tpu.memory_space<vmem>>, vector<16xi32>,
        %slice3A_314 = vector.extract_strided_slice %get3A_313 {offsets = [0], sizes = [1], strides = [1]} : vector<16xi32> to vector<1xi32>
        %squeeze3A_315 = vector.extract %slice3A_314[0] : i32 from vector<1xi32>
        %le3A = arith.cmpi sle, %squeeze3A_315, %add3A_263 : i32
        %and3A = arith.andi %lt3A_308, %le3A : i1
        scf.condition(%and3A) %while3A_290, %while3A_291, %while3A_292, %while3A_293, %while3A_294, %while3A_295, %while3A_296, %while3A_297, %while3A_298, %while3A_299, %while3A_300, %while3A_301, %while3A_302, %while3A_303, %while3A_304, %while3A_305, %while3A_306 : i32, vector<16xf32>, vector<16xf32>, vector<16xf32>, vector<16xf32>, vector<16xf32>, vector<16xf32>, vector<16xf32>, vector<16xf32>, vector<16xf32>, vector<16xf32>, vector<16xf32>, vector<16xf32>, vector<16xf32>, vector<16xf32>, vector<16xf32>, vector<16xf32>
      } do {
      ^bb0(%while3A_290: i32, %while3A_291: vector<16xf32>, %while3A_292: vector<16xf32>, %while3A_293: vector<16xf32>, %while3A_294: vector<16xf32>, %while3A_295: vector<16xf32>, %while3A_296: vector<16xf32>, %while3A_297: vector<16xf32>, %while3A_298: vector<16xf32>, %while3A_299: vector<16xf32>, %while3A_300: vector<16xf32>, %while3A_301: vector<16xf32>, %while3A_302: vector<16xf32>, %while3A_303: vector<16xf32>, %while3A_304: vector<16xf32>, %while3A_305: vector<16xf32>, %while3A_306: vector<16xf32>):
        %add3A_307 = arith.addi %sub3A, %while3A_290 : i32
        %get3A_308 = arith.index_cast %add3A_307 : i32 to index
        %get3A_309 = tpu.vector_load %arg6[%get3A_308] {strides = array<i32>} : memref<360xi32, #tpu.memory_space<vmem>>, vector<16xi32>,
        %slice3A_310 = vector.extract_strided_slice %get3A_309 {offsets = [0], sizes = [1], strides = [1]} : vector<16xi32> to vector<1xi32>
        %squeeze3A_311 = vector.extract %slice3A_310[0] : i32 from vector<1xi32>
        %max3A_312 = arith.maxsi %squeeze3A_311, %add3A_261 : i32
        %add3A_313 = arith.constant 1 : i32
        %add3A_314 = arith.addi %while3A_290, %add3A_313 : i32
        %add3A_315 = arith.addi %sub3A, %add3A_314 : i32
        %get3A_316 = arith.index_cast %add3A_315 : i32 to index
        %get3A_317 = tpu.vector_load %arg6[%get3A_316] {strides = array<i32>} : memref<360xi32, #tpu.memory_space<vmem>>, vector<16xi32>,
        %slice3A_318 = vector.extract_strided_slice %get3A_317 {offsets = [0], sizes = [1], strides = [1]} : vector<16xi32> to vector<1xi32>
        %squeeze3A_319 = vector.extract %slice3A_318[0] : i32 from vector<1xi32>
        %parallel_loop3A_320 = arith.constant 1 : i32
        %parallel_loop3A_321:16 = scf.for %parallel_loop3A_398 = %max3A_312 to %squeeze3A_319 step %parallel_loop3A_320 iter_args(%parallel_loop3A_399 = %while3A_291, %parallel_loop3A_400 = %while3A_292, %parallel_loop3A_401 = %while3A_293, %parallel_loop3A_402 = %while3A_294, %parallel_loop3A_403 = %while3A_295, %parallel_loop3A_404 = %while3A_296, %parallel_loop3A_405 = %while3A_297, %parallel_loop3A_406 = %while3A_298, %parallel_loop3A_407 = %while3A_299, %parallel_loop3A_408 = %while3A_300, %parallel_loop3A_409 = %while3A_301, %parallel_loop3A_410 = %while3A_302, %parallel_loop3A_411 = %while3A_303, %parallel_loop3A_412 = %while3A_304, %parallel_loop3A_413 = %while3A_305, %parallel_loop3A_414 = %while3A_306) -> (vector<16xf32>, vector<16xf32>, vector<16xf32>, vector<16xf32>, vector<16xf32>, vector<16xf32>, vector<16xf32>, vector<16xf32>, vector<16xf32>, vector<16xf32>, vector<16xf32>, vector<16xf32>, vector<16xf32>, vector<16xf32>, vector<16xf32>, vector<16xf32>)  : i32 {
          %parallel_loop3A_415 = arith.subi %parallel_loop3A_398, %multiple_of3A_269 : i32
          %parallel_loop3A_416 = arith.index_cast %rem3A_196 : i32 to index
          %parallel_loop3A_417 = arith.index_cast %parallel_loop3A_415 : i32 to index
          %parallel_loop3A_418 = arith.constant 0 : index
          %parallel_loop3A_419 = tpu.vector_load %arg8[%parallel_loop3A_416, %parallel_loop3A_417, %parallel_loop3A_418] {strides = array<i32>} : memref<2x256x128xi32, #tpu.memory_space<vmem>>, vector<16xi32>,
          %parallel_loop3A_420 = arith.constant 16 : i32
          %parallel_loop3A_421 = vector.broadcast %parallel_loop3A_420 : i32 to vector<16xi32>
          %parallel_loop3A_422 = arith.shli %parallel_loop3A_419, %parallel_loop3A_421 : vector<16xi32>
          %parallel_loop3A_423 = vector.bitcast %parallel_loop3A_422 : vector<16xi32> to vector<16xf32>
          %parallel_loop3A_424 = vector.bitcast %parallel_loop3A_419 : vector<16xi32> to vector<16xf32>
          %parallel_loop3A_425 = arith.addf %parallel_loop3A_399, %parallel_loop3A_423 : vector<16xf32>
          %parallel_loop3A_426 = arith.addf %parallel_loop3A_407, %parallel_loop3A_424 : vector<16xf32>
          %parallel_loop3A_427 = arith.index_cast %rem3A_196 : i32 to index
          %parallel_loop3A_428 = arith.index_cast %parallel_loop3A_415 : i32 to index
          %parallel_loop3A_429 = arith.constant 16 : index
          %parallel_loop3A_430 = tpu.vector_load %arg8[%parallel_loop3A_427, %parallel_loop3A_428, %parallel_loop3A_429] {strides = array<i32>} : memref<2x256x128xi32, #tpu.memory_space<vmem>>, vector<16xi32>,
          %parallel_loop3A_431 = arith.constant 16 : i32
          %parallel_loop3A_432 = vector.broadcast %parallel_loop3A_431 : i32 to vector<16xi32>
          %parallel_loop3A_433 = arith.shli %parallel_loop3A_430, %parallel_loop3A_432 : vector<16xi32>
          %parallel_loop3A_434 = vector.bitcast %parallel_loop3A_433 : vector<16xi32> to vector<16xf32>
          %parallel_loop3A_435 = vector.bitcast %parallel_loop3A_430 : vector<16xi32> to vector<16xf32>
          %parallel_loop3A_436 = arith.addf %parallel_loop3A_400, %parallel_loop3A_434 : vector<16xf32>
          %parallel_loop3A_437 = arith.addf %parallel_loop3A_408, %parallel_loop3A_435 : vector<16xf32>
          %parallel_loop3A_438 = arith.index_cast %rem3A_196 : i32 to index
          %parallel_loop3A_439 = arith.index_cast %parallel_loop3A_415 : i32 to index
          %parallel_loop3A_440 = arith.constant 32 : index
          %parallel_loop3A_441 = tpu.vector_load %arg8[%parallel_loop3A_438, %parallel_loop3A_439, %parallel_loop3A_440] {strides = array<i32>} : memref<2x256x128xi32, #tpu.memory_space<vmem>>, vector<16xi32>,
          %parallel_loop3A_442 = arith.constant 16 : i32
          %parallel_loop3A_443 = vector.broadcast %parallel_loop3A_442 : i32 to vector<16xi32>
          %parallel_loop3A_444 = arith.shli %parallel_loop3A_441, %parallel_loop3A_443 : vector<16xi32>
          %parallel_loop3A_445 = vector.bitcast %parallel_loop3A_444 : vector<16xi32> to vector<16xf32>
          %parallel_loop3A_446 = vector.bitcast %parallel_loop3A_441 : vector<16xi32> to vector<16xf32>
          %parallel_loop3A_447 = arith.addf %parallel_loop3A_401, %parallel_loop3A_445 : vector<16xf32>
          %parallel_loop3A_448 = arith.addf %parallel_loop3A_409, %parallel_loop3A_446 : vector<16xf32>
          %parallel_loop3A_449 = arith.index_cast %rem3A_196 : i32 to index
          %parallel_loop3A_450 = arith.index_cast %parallel_loop3A_415 : i32 to index
          %parallel_loop3A_451 = arith.constant 48 : index
          %parallel_loop3A_452 = tpu.vector_load %arg8[%parallel_loop3A_449, %parallel_loop3A_450, %parallel_loop3A_451] {strides = array<i32>} : memref<2x256x128xi32, #tpu.memory_space<vmem>>, vector<16xi32>,
          %parallel_loop3A_453 = arith.constant 16 : i32
          %parallel_loop3A_454 = vector.broadcast %parallel_loop3A_453 : i32 to vector<16xi32>
          %parallel_loop3A_455 = arith.shli %parallel_loop3A_452, %parallel_loop3A_454 : vector<16xi32>
          %parallel_loop3A_456 = vector.bitcast %parallel_loop3A_455 : vector<16xi32> to vector<16xf32>
          %parallel_loop3A_457 = vector.bitcast %parallel_loop3A_452 : vector<16xi32> to vector<16xf32>
          %parallel_loop3A_458 = arith.addf %parallel_loop3A_402, %parallel_loop3A_456 : vector<16xf32>
          %parallel_loop3A_459 = arith.addf %parallel_loop3A_410, %parallel_loop3A_457 : vector<16xf32>
          %parallel_loop3A_460 = arith.index_cast %rem3A_196 : i32 to index
          %parallel_loop3A_461 = arith.index_cast %parallel_loop3A_415 : i32 to index
          %parallel_loop3A_462 = arith.constant 64 : index
          %parallel_loop3A_463 = tpu.vector_load %arg8[%parallel_loop3A_460, %parallel_loop3A_461, %parallel_loop3A_462] {strides = array<i32>} : memref<2x256x128xi32, #tpu.memory_space<vmem>>, vector<16xi32>,
          %parallel_loop3A_464 = arith.constant 16 : i32
          %parallel_loop3A_465 = vector.broadcast %parallel_loop3A_464 : i32 to vector<16xi32>
          %parallel_loop3A_466 = arith.shli %parallel_loop3A_463, %parallel_loop3A_465 : vector<16xi32>
          %parallel_loop3A_467 = vector.bitcast %parallel_loop3A_466 : vector<16xi32> to vector<16xf32>
          %parallel_loop3A_468 = vector.bitcast %parallel_loop3A_463 : vector<16xi32> to vector<16xf32>
          %parallel_loop3A_469 = arith.addf %parallel_loop3A_403, %parallel_loop3A_467 : vector<16xf32>
          %parallel_loop3A_470 = arith.addf %parallel_loop3A_411, %parallel_loop3A_468 : vector<16xf32>
          %parallel_loop3A_471 = arith.index_cast %rem3A_196 : i32 to index
          %parallel_loop3A_472 = arith.index_cast %parallel_loop3A_415 : i32 to index
          %parallel_loop3A_473 = arith.constant 80 : index
          %parallel_loop3A_474 = tpu.vector_load %arg8[%parallel_loop3A_471, %parallel_loop3A_472, %parallel_loop3A_473] {strides = array<i32>} : memref<2x256x128xi32, #tpu.memory_space<vmem>>, vector<16xi32>,
          %parallel_loop3A_475 = arith.constant 16 : i32
          %parallel_loop3A_476 = vector.broadcast %parallel_loop3A_475 : i32 to vector<16xi32>
          %parallel_loop3A_477 = arith.shli %parallel_loop3A_474, %parallel_loop3A_476 : vector<16xi32>
          %parallel_loop3A_478 = vector.bitcast %parallel_loop3A_477 : vector<16xi32> to vector<16xf32>
          %parallel_loop3A_479 = vector.bitcast %parallel_loop3A_474 : vector<16xi32> to vector<16xf32>
          %parallel_loop3A_480 = arith.addf %parallel_loop3A_404, %parallel_loop3A_478 : vector<16xf32>
          %parallel_loop3A_481 = arith.addf %parallel_loop3A_412, %parallel_loop3A_479 : vector<16xf32>
          %parallel_loop3A_482 = arith.index_cast %rem3A_196 : i32 to index
          %parallel_loop3A_483 = arith.index_cast %parallel_loop3A_415 : i32 to index
          %parallel_loop3A_484 = arith.constant 96 : index
          %parallel_loop3A_485 = tpu.vector_load %arg8[%parallel_loop3A_482, %parallel_loop3A_483, %parallel_loop3A_484] {strides = array<i32>} : memref<2x256x128xi32, #tpu.memory_space<vmem>>, vector<16xi32>,
          %parallel_loop3A_486 = arith.constant 16 : i32
          %parallel_loop3A_487 = vector.broadcast %parallel_loop3A_486 : i32 to vector<16xi32>
          %parallel_loop3A_488 = arith.shli %parallel_loop3A_485, %parallel_loop3A_487 : vector<16xi32>
          %parallel_loop3A_489 = vector.bitcast %parallel_loop3A_488 : vector<16xi32> to vector<16xf32>
          %parallel_loop3A_490 = vector.bitcast %parallel_loop3A_485 : vector<16xi32> to vector<16xf32>
          %parallel_loop3A_491 = arith.addf %parallel_loop3A_405, %parallel_loop3A_489 : vector<16xf32>
          %parallel_loop3A_492 = arith.addf %parallel_loop3A_413, %parallel_loop3A_490 : vector<16xf32>
          %parallel_loop3A_493 = arith.index_cast %rem3A_196 : i32 to index
          %parallel_loop3A_494 = arith.index_cast %parallel_loop3A_415 : i32 to index
          %parallel_loop3A_495 = arith.constant 112 : index
          %parallel_loop3A_496 = tpu.vector_load %arg8[%parallel_loop3A_493, %parallel_loop3A_494, %parallel_loop3A_495] {strides = array<i32>} : memref<2x256x128xi32, #tpu.memory_space<vmem>>, vector<16xi32>,
          %parallel_loop3A_497 = arith.constant 16 : i32
          %parallel_loop3A_498 = vector.broadcast %parallel_loop3A_497 : i32 to vector<16xi32>
          %parallel_loop3A_499 = arith.shli %parallel_loop3A_496, %parallel_loop3A_498 : vector<16xi32>
          %parallel_loop3A_500 = vector.bitcast %parallel_loop3A_499 : vector<16xi32> to vector<16xf32>
          %parallel_loop3A_501 = vector.bitcast %parallel_loop3A_496 : vector<16xi32> to vector<16xf32>
          %parallel_loop3A_502 = arith.addf %parallel_loop3A_406, %parallel_loop3A_500 : vector<16xf32>
          %parallel_loop3A_503 = arith.addf %parallel_loop3A_414, %parallel_loop3A_501 : vector<16xf32>
          scf.yield %parallel_loop3A_425, %parallel_loop3A_436, %parallel_loop3A_447, %parallel_loop3A_458, %parallel_loop3A_469, %parallel_loop3A_480, %parallel_loop3A_491, %parallel_loop3A_502, %parallel_loop3A_426, %parallel_loop3A_437, %parallel_loop3A_448, %parallel_loop3A_459, %parallel_loop3A_470, %parallel_loop3A_481, %parallel_loop3A_492, %parallel_loop3A_503 : vector<16xf32>, vector<16xf32>, vector<16xf32>, vector<16xf32>, vector<16xf32>, vector<16xf32>, vector<16xf32>, vector<16xf32>, vector<16xf32>, vector<16xf32>, vector<16xf32>, vector<16xf32>, vector<16xf32>, vector<16xf32>, vector<16xf32>, vector<16xf32>
        } {sc.loop_unroll_factor = 2 : i64, sc.parallel_access}
        %div3A_322 = arith.constant 80 : i32
        %div3A_323 = arith.divsi %while3A_290, %div3A_322 : i32
        %rem3A_324 = arith.constant 2 : i32
        %rem3A_325 = arith.remsi %div3A_323, %rem3A_324 : i32
        %mul3A_326 = arith.constant 80 : i32
        %mul3A_327 = arith.muli %div3A_323, %mul3A_326 : i32
        %sub3A_328 = arith.subi %while3A_290, %mul3A_327 : i32
        %swap3A = arith.index_cast %rem3A_325 : i32 to index
        %swap3A_329 = arith.index_cast %sub3A_328 : i32 to index
        %swap3A_330 = arith.constant 0 : index
        %swap3A_331 = tpu.vector_load %arg9[%swap3A, %swap3A_329, %swap3A_330] {strides = array<i32>} : memref<2x80x256xf32, #tpu.memory_space<vmem>>, vector<16xf32>,
        tpu.vector_store %arg9[%swap3A, %swap3A_329, %swap3A_330], %parallel_loop3A_321#0 {strides = array<i32>} : memref<2x80x256xf32, #tpu.memory_space<vmem>>, vector<16xf32>,
        %swap3A_332 = arith.index_cast %rem3A_325 : i32 to index
        %swap3A_333 = arith.index_cast %sub3A_328 : i32 to index
        %swap3A_334 = arith.constant 16 : index
        %swap3A_335 = tpu.vector_load %arg9[%swap3A_332, %swap3A_333, %swap3A_334] {strides = array<i32>} : memref<2x80x256xf32, #tpu.memory_space<vmem>>, vector<16xf32>,
        tpu.vector_store %arg9[%swap3A_332, %swap3A_333, %swap3A_334], %parallel_loop3A_321#1 {strides = array<i32>} : memref<2x80x256xf32, #tpu.memory_space<vmem>>, vector<16xf32>,
        %swap3A_336 = arith.index_cast %rem3A_325 : i32 to index
        %swap3A_337 = arith.index_cast %sub3A_328 : i32 to index
        %swap3A_338 = arith.constant 32 : index
        %swap3A_339 = tpu.vector_load %arg9[%swap3A_336, %swap3A_337, %swap3A_338] {strides = array<i32>} : memref<2x80x256xf32, #tpu.memory_space<vmem>>, vector<16xf32>,
        tpu.vector_store %arg9[%swap3A_336, %swap3A_337, %swap3A_338], %parallel_loop3A_321#2 {strides = array<i32>} : memref<2x80x256xf32, #tpu.memory_space<vmem>>, vector<16xf32>,
        %swap3A_340 = arith.index_cast %rem3A_325 : i32 to index
        %swap3A_341 = arith.index_cast %sub3A_328 : i32 to index
        %swap3A_342 = arith.constant 48 : index
        %swap3A_343 = tpu.vector_load %arg9[%swap3A_340, %swap3A_341, %swap3A_342] {strides = array<i32>} : memref<2x80x256xf32, #tpu.memory_space<vmem>>, vector<16xf32>,
        tpu.vector_store %arg9[%swap3A_340, %swap3A_341, %swap3A_342], %parallel_loop3A_321#3 {strides = array<i32>} : memref<2x80x256xf32, #tpu.memory_space<vmem>>, vector<16xf32>,
        %swap3A_344 = arith.index_cast %rem3A_325 : i32 to index
        %swap3A_345 = arith.index_cast %sub3A_328 : i32 to index
        %swap3A_346 = arith.constant 64 : index
        %swap3A_347 = tpu.vector_load %arg9[%swap3A_344, %swap3A_345, %swap3A_346] {strides = array<i32>} : memref<2x80x256xf32, #tpu.memory_space<vmem>>, vector<16xf32>,
        tpu.vector_store %arg9[%swap3A_344, %swap3A_345, %swap3A_346], %parallel_loop3A_321#4 {strides = array<i32>} : memref<2x80x256xf32, #tpu.memory_space<vmem>>, vector<16xf32>,
        %swap3A_348 = arith.index_cast %rem3A_325 : i32 to index
        %swap3A_349 = arith.index_cast %sub3A_328 : i32 to index
        %swap3A_350 = arith.constant 80 : index
        %swap3A_351 = tpu.vector_load %arg9[%swap3A_348, %swap3A_349, %swap3A_350] {strides = array<i32>} : memref<2x80x256xf32, #tpu.memory_space<vmem>>, vector<16xf32>,
        tpu.vector_store %arg9[%swap3A_348, %swap3A_349, %swap3A_350], %parallel_loop3A_321#5 {strides = array<i32>} : memref<2x80x256xf32, #tpu.memory_space<vmem>>, vector<16xf32>,
        %swap3A_352 = arith.index_cast %rem3A_325 : i32 to index
        %swap3A_353 = arith.index_cast %sub3A_328 : i32 to index
        %swap3A_354 = arith.constant 96 : index
        %swap3A_355 = tpu.vector_load %arg9[%swap3A_352, %swap3A_353, %swap3A_354] {strides = array<i32>} : memref<2x80x256xf32, #tpu.memory_space<vmem>>, vector<16xf32>,
        tpu.vector_store %arg9[%swap3A_352, %swap3A_353, %swap3A_354], %parallel_loop3A_321#6 {strides = array<i32>} : memref<2x80x256xf32, #tpu.memory_space<vmem>>, vector<16xf32>,
        %swap3A_356 = arith.index_cast %rem3A_325 : i32 to index
        %swap3A_357 = arith.index_cast %sub3A_328 : i32 to index
        %swap3A_358 = arith.constant 112 : index
        %swap3A_359 = tpu.vector_load %arg9[%swap3A_356, %swap3A_357, %swap3A_358] {strides = array<i32>} : memref<2x80x256xf32, #tpu.memory_space<vmem>>, vector<16xf32>,
        tpu.vector_store %arg9[%swap3A_356, %swap3A_357, %swap3A_358], %parallel_loop3A_321#7 {strides = array<i32>} : memref<2x80x256xf32, #tpu.memory_space<vmem>>, vector<16xf32>,
        %swap3A_360 = arith.index_cast %rem3A_325 : i32 to index
        %swap3A_361 = arith.index_cast %sub3A_328 : i32 to index
        %swap3A_362 = arith.constant 128 : index
        %swap3A_363 = tpu.vector_load %arg9[%swap3A_360, %swap3A_361, %swap3A_362] {strides = array<i32>} : memref<2x80x256xf32, #tpu.memory_space<vmem>>, vector<16xf32>,
        tpu.vector_store %arg9[%swap3A_360, %swap3A_361, %swap3A_362], %parallel_loop3A_321#8 {strides = array<i32>} : memref<2x80x256xf32, #tpu.memory_space<vmem>>, vector<16xf32>,
        %swap3A_364 = arith.index_cast %rem3A_325 : i32 to index
        %swap3A_365 = arith.index_cast %sub3A_328 : i32 to index
        %swap3A_366 = arith.constant 144 : index
        %swap3A_367 = tpu.vector_load %arg9[%swap3A_364, %swap3A_365, %swap3A_366] {strides = array<i32>} : memref<2x80x256xf32, #tpu.memory_space<vmem>>, vector<16xf32>,
        tpu.vector_store %arg9[%swap3A_364, %swap3A_365, %swap3A_366], %parallel_loop3A_321#9 {strides = array<i32>} : memref<2x80x256xf32, #tpu.memory_space<vmem>>, vector<16xf32>,
        %swap3A_368 = arith.index_cast %rem3A_325 : i32 to index
        %swap3A_369 = arith.index_cast %sub3A_328 : i32 to index
        %swap3A_370 = arith.constant 160 : index
        %swap3A_371 = tpu.vector_load %arg9[%swap3A_368, %swap3A_369, %swap3A_370] {strides = array<i32>} : memref<2x80x256xf32, #tpu.memory_space<vmem>>, vector<16xf32>,
        tpu.vector_store %arg9[%swap3A_368, %swap3A_369, %swap3A_370], %parallel_loop3A_321#10 {strides = array<i32>} : memref<2x80x256xf32, #tpu.memory_space<vmem>>, vector<16xf32>,
        %swap3A_372 = arith.index_cast %rem3A_325 : i32 to index
        %swap3A_373 = arith.index_cast %sub3A_328 : i32 to index
        %swap3A_374 = arith.constant 176 : index
        %swap3A_375 = tpu.vector_load %arg9[%swap3A_372, %swap3A_373, %swap3A_374] {strides = array<i32>} : memref<2x80x256xf32, #tpu.memory_space<vmem>>, vector<16xf32>,
        tpu.vector_store %arg9[%swap3A_372, %swap3A_373, %swap3A_374], %parallel_loop3A_321#11 {strides = array<i32>} : memref<2x80x256xf32, #tpu.memory_space<vmem>>, vector<16xf32>,
        %swap3A_376 = arith.index_cast %rem3A_325 : i32 to index
        %swap3A_377 = arith.index_cast %sub3A_328 : i32 to index
        %swap3A_378 = arith.constant 192 : index
        %swap3A_379 = tpu.vector_load %arg9[%swap3A_376, %swap3A_377, %swap3A_378] {strides = array<i32>} : memref<2x80x256xf32, #tpu.memory_space<vmem>>, vector<16xf32>,
        tpu.vector_store %arg9[%swap3A_376, %swap3A_377, %swap3A_378], %parallel_loop3A_321#12 {strides = array<i32>} : memref<2x80x256xf32, #tpu.memory_space<vmem>>, vector<16xf32>,
        %swap3A_380 = arith.index_cast %rem3A_325 : i32 to index
        %swap3A_381 = arith.index_cast %sub3A_328 : i32 to index
        %swap3A_382 = arith.constant 208 : index
        %swap3A_383 = tpu.vector_load %arg9[%swap3A_380, %swap3A_381, %swap3A_382] {strides = array<i32>} : memref<2x80x256xf32, #tpu.memory_space<vmem>>, vector<16xf32>,
        tpu.vector_store %arg9[%swap3A_380, %swap3A_381, %swap3A_382], %parallel_loop3A_321#13 {strides = array<i32>} : memref<2x80x256xf32, #tpu.memory_space<vmem>>, vector<16xf32>,
        %swap3A_384 = arith.index_cast %rem3A_325 : i32 to index
        %swap3A_385 = arith.index_cast %sub3A_328 : i32 to index
        %swap3A_386 = arith.constant 224 : index
        %swap3A_387 = tpu.vector_load %arg9[%swap3A_384, %swap3A_385, %swap3A_386] {strides = array<i32>} : memref<2x80x256xf32, #tpu.memory_space<vmem>>, vector<16xf32>,
        tpu.vector_store %arg9[%swap3A_384, %swap3A_385, %swap3A_386], %parallel_loop3A_321#14 {strides = array<i32>} : memref<2x80x256xf32, #tpu.memory_space<vmem>>, vector<16xf32>,
        %swap3A_388 = arith.index_cast %rem3A_325 : i32 to index
        %swap3A_389 = arith.index_cast %sub3A_328 : i32 to index
        %swap3A_390 = arith.constant 240 : index
        %swap3A_391 = tpu.vector_load %arg9[%swap3A_388, %swap3A_389, %swap3A_390] {strides = array<i32>} : memref<2x80x256xf32, #tpu.memory_space<vmem>>, vector<16xf32>,
        tpu.vector_store %arg9[%swap3A_388, %swap3A_389, %swap3A_390], %parallel_loop3A_321#15 {strides = array<i32>} : memref<2x80x256xf32, #tpu.memory_space<vmem>>, vector<16xf32>,
        %eq3A = arith.constant 79 : i32
        %eq3A_392 = arith.cmpi eq, %sub3A_328, %eq3A : i32
        %convert_element_type3A_393 = arith.extui %eq3A_392 : i1 to i32
        %cond3A_394 = arith.constant 0 : i32
        %cond3A_395 = arith.cmpi ne, %convert_element_type3A_393, %cond3A_394 : i32
        scf.if %cond3A_395 {
          %mul3A_398 = arith.constant 80 : i32
          %mul3A_399 = arith.muli %div3A_323, %mul3A_398 : i32
          %add3A_400 = arith.addi %multiple_of3A, %mul3A_399 : i32
          %dma_start3A_401 = arith.constant 0 : i32
          %dma_start3A_402 = arith.constant 0 : i32
          %dma_start3A_403 = tpu.memref_slice %arg9[%rem3A_325, %dma_start3A_401, %dma_start3A_402] : memref<2x80x256xf32, #tpu.memory_space<vmem>> -> memref<1x80x256xf32, #tpu.memory_space<vmem>>
          %dma_start3A_404 = tpu.memref_squeeze %dma_start3A_403 : memref<1x80x256xf32, #tpu.memory_space<vmem>> -> memref<80x256xf32, #tpu.memory_space<vmem>>
          %dma_start3A_405 = arith.constant 0 : i32
          %dma_start3A_406 = tpu.memref_slice %arg5[%add3A_400, %dma_start3A_405] : memref<10000x256xf32, #tpu.memory_space<hbm>> -> memref<80x256xf32, #tpu.memory_space<hbm>>
          %dma_start3A_407 = tpu.memref_slice %arg12[%rem3A_325] : memref<2x!tpu.dma_semaphore, #tpu.memory_space<semaphore_mem>> -> memref<1x!tpu.dma_semaphore, #tpu.memory_space<semaphore_mem>>
          %dma_start3A_408 = tpu.memref_squeeze %dma_start3A_407 : memref<1x!tpu.dma_semaphore, #tpu.memory_space<semaphore_mem>> -> memref<!tpu.dma_semaphore, #tpu.memory_space<semaphore_mem>>
          %dma_start3A_409 = arith.constant 0 : i32
          %dma_start3A_410 = tpu.memref_slice %arg5[%add3A_400, %dma_start3A_409] : memref<10000x256xf32, #tpu.memory_space<hbm>> -> memref<80x256xf32, #tpu.memory_space<hbm>>
          %dma_start3A_411 = arith.constant 0 : i32
          %dma_start3A_412 = arith.constant 0 : i32
          %dma_start3A_413 = tpu.memref_slice %arg9[%rem3A_325, %dma_start3A_411, %dma_start3A_412] : memref<2x80x256xf32, #tpu.memory_space<vmem>> -> memref<1x80x256xf32, #tpu.memory_space<vmem>>
          %dma_start3A_414 = tpu.memref_squeeze %dma_start3A_413 : memref<1x80x256xf32, #tpu.memory_space<vmem>> -> memref<80x256xf32, #tpu.memory_space<vmem>>
          tpu.enqueue_dma source(%dma_start3A_414 : memref<80x256xf32, #tpu.memory_space<vmem>>) target(%dma_start3A_410 : memref<80x256xf32, #tpu.memory_space<hbm>>) target_semaphore(%dma_start3A_408 : memref<!tpu.dma_semaphore, #tpu.memory_space<semaphore_mem>>)
          %gt3A_415 = arith.constant 0 : i32
          %gt3A_416 = arith.cmpi sgt, %div3A_323, %gt3A_415 : i32
          %convert_element_type3A_417 = arith.extui %gt3A_416 : i1 to i32
          %cond3A_418 = arith.constant 0 : i32
          %cond3A_419 = arith.cmpi ne, %convert_element_type3A_417, %cond3A_418 : i32
          scf.if %cond3A_419 {
            %sub3A_420 = arith.constant 1 : i32
            %sub3A_421 = arith.subi %sub3A_420, %rem3A_325 : i32
            %add3A_422 = arith.constant 0 : i32
            %add3A_423 = arith.addi %multiple_of3A, %add3A_422 : i32
            %dma_wait3A_424 = arith.constant 0 : i32
            %dma_wait3A_425 = arith.constant 0 : i32
            %dma_wait3A_426 = tpu.memref_slice %arg9[%sub3A_421, %dma_wait3A_424, %dma_wait3A_425] : memref<2x80x256xf32, #tpu.memory_space<vmem>> -> memref<1x80x256xf32, #tpu.memory_space<vmem>>
            %dma_wait3A_427 = tpu.memref_squeeze %dma_wait3A_426 : memref<1x80x256xf32, #tpu.memory_space<vmem>> -> memref<80x256xf32, #tpu.memory_space<vmem>>
            %dma_wait3A_428 = arith.constant 0 : i32
            %dma_wait3A_429 = tpu.memref_slice %arg5[%add3A_423, %dma_wait3A_428] : memref<10000x256xf32, #tpu.memory_space<hbm>> -> memref<80x256xf32, #tpu.memory_space<hbm>>
            %dma_wait3A_430 = tpu.memref_slice %arg12[%sub3A_421] : memref<2x!tpu.dma_semaphore, #tpu.memory_space<semaphore_mem>> -> memref<1x!tpu.dma_semaphore, #tpu.memory_space<semaphore_mem>>
            %dma_wait3A_431 = tpu.memref_squeeze %dma_wait3A_430 : memref<1x!tpu.dma_semaphore, #tpu.memory_space<semaphore_mem>> -> memref<!tpu.dma_semaphore, #tpu.memory_space<semaphore_mem>>
            %dma_wait3A_432 = arith.constant 0 : i32
            %dma_wait3A_433 = tpu.memref_slice %arg5[%add3A_423, %dma_wait3A_432] : memref<10000x256xf32, #tpu.memory_space<hbm>> -> memref<80x256xf32, #tpu.memory_space<hbm>>
            %dma_wait3A_434 = arith.constant 0 : i32
            %dma_wait3A_435 = arith.constant 0 : i32
            %dma_wait3A_436 = tpu.memref_slice %arg9[%sub3A_421, %dma_wait3A_434, %dma_wait3A_435] : memref<2x80x256xf32, #tpu.memory_space<vmem>> -> memref<1x80x256xf32, #tpu.memory_space<vmem>>
            %dma_wait3A_437 = tpu.memref_squeeze %dma_wait3A_436 : memref<1x80x256xf32, #tpu.memory_space<vmem>> -> memref<80x256xf32, #tpu.memory_space<vmem>>
            tpu.wait_dma2 semaphore(%dma_wait3A_431 : memref<!tpu.dma_semaphore, #tpu.memory_space<semaphore_mem>>) src(%dma_wait3A_437 : memref<80x256xf32, #tpu.memory_space<vmem>>) dst(%dma_wait3A_433 : memref<80x256xf32, #tpu.memory_space<hbm>>)
          } else {
          }
        } else {
        }
        %add3A_396 = arith.constant 1 : i32
        %add3A_397 = arith.addi %while3A_290, %add3A_396 : i32
        scf.yield %add3A_397, %broadcast_in_dim3A_31, %broadcast_in_dim3A_33, %broadcast_in_dim3A_35, %broadcast_in_dim3A_37, %broadcast_in_dim3A_39, %broadcast_in_dim3A_41, %broadcast_in_dim3A_43, %broadcast_in_dim3A_45, %broadcast_in_dim3A_47, %broadcast_in_dim3A_49, %broadcast_in_dim3A_51, %broadcast_in_dim3A_53, %broadcast_in_dim3A_55, %broadcast_in_dim3A_57, %broadcast_in_dim3A_59, %broadcast_in_dim3A_61 : i32, vector<16xf32>, vector<16xf32>, vector<16xf32>, vector<16xf32>, vector<16xf32>, vector<16xf32>, vector<16xf32>, vector<16xf32>, vector<16xf32>, vector<16xf32>, vector<16xf32>, vector<16xf32>, vector<16xf32>, vector<16xf32>, vector<16xf32>, vector<16xf32>
      }
      %min3A_271 = arith.constant 319 : i32
      %min3A_272 = arith.minsi %while3A_270#0, %min3A_271 : i32
      %add3A_273 = arith.addi %sub3A, %min3A_272 : i32
      %get3A_274 = arith.index_cast %add3A_273 : i32 to index
      %get3A_275 = tpu.vector_load %arg6[%get3A_274] {strides = array<i32>} : memref<360xi32, #tpu.memory_space<vmem>>, vector<16xi32>,
      %slice3A_276 = vector.extract_strided_slice %get3A_275 {offsets = [0], sizes = [1], strides = [1]} : vector<16xi32> to vector<1xi32>
      %squeeze3A_277 = vector.extract %slice3A_276[0] : i32 from vector<1xi32>
      %max3A_278 = arith.maxsi %squeeze3A_277, %add3A_261 : i32
      %lt3A = arith.constant 320 : i32
      %lt3A_279 = arith.cmpi slt, %while3A_270#0, %lt3A : i32
      %add3A_280 = arith.constant 1 : i32
      %add3A_281 = arith.addi %min3A_272, %add3A_280 : i32
      %add3A_282 = arith.addi %sub3A, %add3A_281 : i32
      %get3A_283 = arith.index_cast %add3A_282 : i32 to index
      %get3A_284 = tpu.vector_load %arg6[%get3A_283] {strides = array<i32>} : memref<360xi32, #tpu.memory_space<vmem>>, vector<16xi32>,
      %slice3A_285 = vector.extract_strided_slice %get3A_284 {offsets = [0], sizes = [1], strides = [1]} : vector<16xi32> to vector<1xi32>
      %squeeze3A_286 = vector.extract %slice3A_285[0] : i32 from vector<1xi32>
      %min3A_287 = arith.minsi %squeeze3A_286, %add3A_263 : i32
      %select_n3A = arith.select %lt3A_279, %min3A_287, %max3A_278 : i32
      %min3A_288 = arith.minsi %max3A_278, %select_n3A : i32
      %parallel_loop3A = arith.constant 1 : i32
      %parallel_loop3A_289:16 = scf.for %parallel_loop3A_290 = %min3A_288 to %select_n3A step %parallel_loop3A iter_args(%parallel_loop3A_291 = %while3A_270#1, %parallel_loop3A_292 = %while3A_270#2, %parallel_loop3A_293 = %while3A_270#3, %parallel_loop3A_294 = %while3A_270#4, %parallel_loop3A_295 = %while3A_270#5, %parallel_loop3A_296 = %while3A_270#6, %parallel_loop3A_297 = %while3A_270#7, %parallel_loop3A_298 = %while3A_270#8, %parallel_loop3A_299 = %while3A_270#9, %parallel_loop3A_300 = %while3A_270#10, %parallel_loop3A_301 = %while3A_270#11, %parallel_loop3A_302 = %while3A_270#12, %parallel_loop3A_303 = %while3A_270#13, %parallel_loop3A_304 = %while3A_270#14, %parallel_loop3A_305 = %while3A_270#15, %parallel_loop3A_306 = %while3A_270#16) -> (vector<16xf32>, vector<16xf32>, vector<16xf32>, vector<16xf32>, vector<16xf32>, vector<16xf32>, vector<16xf32>, vector<16xf32>, vector<16xf32>, vector<16xf32>, vector<16xf32>, vector<16xf32>, vector<16xf32>, vector<16xf32>, vector<16xf32>, vector<16xf32>)  : i32 {
        %parallel_loop3A_307 = arith.subi %parallel_loop3A_290, %multiple_of3A_269 : i32
        %parallel_loop3A_308 = arith.index_cast %rem3A_196 : i32 to index
        %parallel_loop3A_309 = arith.index_cast %parallel_loop3A_307 : i32 to index
        %parallel_loop3A_310 = arith.constant 0 : index
        %parallel_loop3A_311 = tpu.vector_load %arg8[%parallel_loop3A_308, %parallel_loop3A_309, %parallel_loop3A_310] {strides = array<i32>} : memref<2x256x128xi32, #tpu.memory_space<vmem>>, vector<16xi32>,
        %parallel_loop3A_312 = arith.constant 16 : i32
        %parallel_loop3A_313 = vector.broadcast %parallel_loop3A_312 : i32 to vector<16xi32>
        %parallel_loop3A_314 = arith.shli %parallel_loop3A_311, %parallel_loop3A_313 : vector<16xi32>
        %parallel_loop3A_315 = vector.bitcast %parallel_loop3A_314 : vector<16xi32> to vector<16xf32>
        %parallel_loop3A_316 = vector.bitcast %parallel_loop3A_311 : vector<16xi32> to vector<16xf32>
        %parallel_loop3A_317 = arith.addf %parallel_loop3A_291, %parallel_loop3A_315 : vector<16xf32>
        %parallel_loop3A_318 = arith.addf %parallel_loop3A_299, %parallel_loop3A_316 : vector<16xf32>
        %parallel_loop3A_319 = arith.index_cast %rem3A_196 : i32 to index
        %parallel_loop3A_320 = arith.index_cast %parallel_loop3A_307 : i32 to index
        %parallel_loop3A_321 = arith.constant 16 : index
        %parallel_loop3A_322 = tpu.vector_load %arg8[%parallel_loop3A_319, %parallel_loop3A_320, %parallel_loop3A_321] {strides = array<i32>} : memref<2x256x128xi32, #tpu.memory_space<vmem>>, vector<16xi32>,
        %parallel_loop3A_323 = arith.constant 16 : i32
        %parallel_loop3A_324 = vector.broadcast %parallel_loop3A_323 : i32 to vector<16xi32>
        %parallel_loop3A_325 = arith.shli %parallel_loop3A_322, %parallel_loop3A_324 : vector<16xi32>
        %parallel_loop3A_326 = vector.bitcast %parallel_loop3A_325 : vector<16xi32> to vector<16xf32>
        %parallel_loop3A_327 = vector.bitcast %parallel_loop3A_322 : vector<16xi32> to vector<16xf32>
        %parallel_loop3A_328 = arith.addf %parallel_loop3A_292, %parallel_loop3A_326 : vector<16xf32>
        %parallel_loop3A_329 = arith.addf %parallel_loop3A_300, %parallel_loop3A_327 : vector<16xf32>
        %parallel_loop3A_330 = arith.index_cast %rem3A_196 : i32 to index
        %parallel_loop3A_331 = arith.index_cast %parallel_loop3A_307 : i32 to index
        %parallel_loop3A_332 = arith.constant 32 : index
        %parallel_loop3A_333 = tpu.vector_load %arg8[%parallel_loop3A_330, %parallel_loop3A_331, %parallel_loop3A_332] {strides = array<i32>} : memref<2x256x128xi32, #tpu.memory_space<vmem>>, vector<16xi32>,
        %parallel_loop3A_334 = arith.constant 16 : i32
        %parallel_loop3A_335 = vector.broadcast %parallel_loop3A_334 : i32 to vector<16xi32>
        %parallel_loop3A_336 = arith.shli %parallel_loop3A_333, %parallel_loop3A_335 : vector<16xi32>
        %parallel_loop3A_337 = vector.bitcast %parallel_loop3A_336 : vector<16xi32> to vector<16xf32>
        %parallel_loop3A_338 = vector.bitcast %parallel_loop3A_333 : vector<16xi32> to vector<16xf32>
        %parallel_loop3A_339 = arith.addf %parallel_loop3A_293, %parallel_loop3A_337 : vector<16xf32>
        %parallel_loop3A_340 = arith.addf %parallel_loop3A_301, %parallel_loop3A_338 : vector<16xf32>
        %parallel_loop3A_341 = arith.index_cast %rem3A_196 : i32 to index
        %parallel_loop3A_342 = arith.index_cast %parallel_loop3A_307 : i32 to index
        %parallel_loop3A_343 = arith.constant 48 : index
        %parallel_loop3A_344 = tpu.vector_load %arg8[%parallel_loop3A_341, %parallel_loop3A_342, %parallel_loop3A_343] {strides = array<i32>} : memref<2x256x128xi32, #tpu.memory_space<vmem>>, vector<16xi32>,
        %parallel_loop3A_345 = arith.constant 16 : i32
        %parallel_loop3A_346 = vector.broadcast %parallel_loop3A_345 : i32 to vector<16xi32>
        %parallel_loop3A_347 = arith.shli %parallel_loop3A_344, %parallel_loop3A_346 : vector<16xi32>
        %parallel_loop3A_348 = vector.bitcast %parallel_loop3A_347 : vector<16xi32> to vector<16xf32>
        %parallel_loop3A_349 = vector.bitcast %parallel_loop3A_344 : vector<16xi32> to vector<16xf32>
        %parallel_loop3A_350 = arith.addf %parallel_loop3A_294, %parallel_loop3A_348 : vector<16xf32>
        %parallel_loop3A_351 = arith.addf %parallel_loop3A_302, %parallel_loop3A_349 : vector<16xf32>
        %parallel_loop3A_352 = arith.index_cast %rem3A_196 : i32 to index
        %parallel_loop3A_353 = arith.index_cast %parallel_loop3A_307 : i32 to index
        %parallel_loop3A_354 = arith.constant 64 : index
        %parallel_loop3A_355 = tpu.vector_load %arg8[%parallel_loop3A_352, %parallel_loop3A_353, %parallel_loop3A_354] {strides = array<i32>} : memref<2x256x128xi32, #tpu.memory_space<vmem>>, vector<16xi32>,
        %parallel_loop3A_356 = arith.constant 16 : i32
        %parallel_loop3A_357 = vector.broadcast %parallel_loop3A_356 : i32 to vector<16xi32>
        %parallel_loop3A_358 = arith.shli %parallel_loop3A_355, %parallel_loop3A_357 : vector<16xi32>
        %parallel_loop3A_359 = vector.bitcast %parallel_loop3A_358 : vector<16xi32> to vector<16xf32>
        %parallel_loop3A_360 = vector.bitcast %parallel_loop3A_355 : vector<16xi32> to vector<16xf32>
        %parallel_loop3A_361 = arith.addf %parallel_loop3A_295, %parallel_loop3A_359 : vector<16xf32>
        %parallel_loop3A_362 = arith.addf %parallel_loop3A_303, %parallel_loop3A_360 : vector<16xf32>
        %parallel_loop3A_363 = arith.index_cast %rem3A_196 : i32 to index
        %parallel_loop3A_364 = arith.index_cast %parallel_loop3A_307 : i32 to index
        %parallel_loop3A_365 = arith.constant 80 : index
        %parallel_loop3A_366 = tpu.vector_load %arg8[%parallel_loop3A_363, %parallel_loop3A_364, %parallel_loop3A_365] {strides = array<i32>} : memref<2x256x128xi32, #tpu.memory_space<vmem>>, vector<16xi32>,
        %parallel_loop3A_367 = arith.constant 16 : i32
        %parallel_loop3A_368 = vector.broadcast %parallel_loop3A_367 : i32 to vector<16xi32>
        %parallel_loop3A_369 = arith.shli %parallel_loop3A_366, %parallel_loop3A_368 : vector<16xi32>
        %parallel_loop3A_370 = vector.bitcast %parallel_loop3A_369 : vector<16xi32> to vector<16xf32>
        %parallel_loop3A_371 = vector.bitcast %parallel_loop3A_366 : vector<16xi32> to vector<16xf32>
        %parallel_loop3A_372 = arith.addf %parallel_loop3A_296, %parallel_loop3A_370 : vector<16xf32>
        %parallel_loop3A_373 = arith.addf %parallel_loop3A_304, %parallel_loop3A_371 : vector<16xf32>
        %parallel_loop3A_374 = arith.index_cast %rem3A_196 : i32 to index
        %parallel_loop3A_375 = arith.index_cast %parallel_loop3A_307 : i32 to index
        %parallel_loop3A_376 = arith.constant 96 : index
        %parallel_loop3A_377 = tpu.vector_load %arg8[%parallel_loop3A_374, %parallel_loop3A_375, %parallel_loop3A_376] {strides = array<i32>} : memref<2x256x128xi32, #tpu.memory_space<vmem>>, vector<16xi32>,
        %parallel_loop3A_378 = arith.constant 16 : i32
        %parallel_loop3A_379 = vector.broadcast %parallel_loop3A_378 : i32 to vector<16xi32>
        %parallel_loop3A_380 = arith.shli %parallel_loop3A_377, %parallel_loop3A_379 : vector<16xi32>
        %parallel_loop3A_381 = vector.bitcast %parallel_loop3A_380 : vector<16xi32> to vector<16xf32>
        %parallel_loop3A_382 = vector.bitcast %parallel_loop3A_377 : vector<16xi32> to vector<16xf32>
        %parallel_loop3A_383 = arith.addf %parallel_loop3A_297, %parallel_loop3A_381 : vector<16xf32>
        %parallel_loop3A_384 = arith.addf %parallel_loop3A_305, %parallel_loop3A_382 : vector<16xf32>
        %parallel_loop3A_385 = arith.index_cast %rem3A_196 : i32 to index
        %parallel_loop3A_386 = arith.index_cast %parallel_loop3A_307 : i32 to index
        %parallel_loop3A_387 = arith.constant 112 : index
        %parallel_loop3A_388 = tpu.vector_load %arg8[%parallel_loop3A_385, %parallel_loop3A_386, %parallel_loop3A_387] {strides = array<i32>} : memref<2x256x128xi32, #tpu.memory_space<vmem>>, vector<16xi32>,
        %parallel_loop3A_389 = arith.constant 16 : i32
        %parallel_loop3A_390 = vector.broadcast %parallel_loop3A_389 : i32 to vector<16xi32>
        %parallel_loop3A_391 = arith.shli %parallel_loop3A_388, %parallel_loop3A_390 : vector<16xi32>
        %parallel_loop3A_392 = vector.bitcast %parallel_loop3A_391 : vector<16xi32> to vector<16xf32>
        %parallel_loop3A_393 = vector.bitcast %parallel_loop3A_388 : vector<16xi32> to vector<16xf32>
        %parallel_loop3A_394 = arith.addf %parallel_loop3A_298, %parallel_loop3A_392 : vector<16xf32>
        %parallel_loop3A_395 = arith.addf %parallel_loop3A_306, %parallel_loop3A_393 : vector<16xf32>
        scf.yield %parallel_loop3A_317, %parallel_loop3A_328, %parallel_loop3A_339, %parallel_loop3A_350, %parallel_loop3A_361, %parallel_loop3A_372, %parallel_loop3A_383, %parallel_loop3A_394, %parallel_loop3A_318, %parallel_loop3A_329, %parallel_loop3A_340, %parallel_loop3A_351, %parallel_loop3A_362, %parallel_loop3A_373, %parallel_loop3A_384, %parallel_loop3A_395 : vector<16xf32>, vector<16xf32>, vector<16xf32>, vector<16xf32>, vector<16xf32>, vector<16xf32>, vector<16xf32>, vector<16xf32>, vector<16xf32>, vector<16xf32>, vector<16xf32>, vector<16xf32>, vector<16xf32>, vector<16xf32>, vector<16xf32>, vector<16xf32>
      } {sc.loop_unroll_factor = 2 : i64, sc.parallel_access}
      scf.yield %while3A_270#0, %parallel_loop3A_289#0, %parallel_loop3A_289#1, %parallel_loop3A_289#2, %parallel_loop3A_289#3, %parallel_loop3A_289#4, %parallel_loop3A_289#5, %parallel_loop3A_289#6, %parallel_loop3A_289#7, %parallel_loop3A_289#8, %parallel_loop3A_289#9, %parallel_loop3A_289#10, %parallel_loop3A_289#11, %parallel_loop3A_289#12, %parallel_loop3A_289#13, %parallel_loop3A_289#14, %parallel_loop3A_289#15 : i32, vector<16xf32>, vector<16xf32>, vector<16xf32>, vector<16xf32>, vector<16xf32>, vector<16xf32>, vector<16xf32>, vector<16xf32>, vector<16xf32>, vector<16xf32>, vector<16xf32>, vector<16xf32>, vector<16xf32>, vector<16xf32>, vector<16xf32>, vector<16xf32>
    }
    %dma_wait3A_126 = arith.constant 0 : i32
    %dma_wait3A_127 = arith.constant 0 : i32
    %dma_wait3A_128 = arith.constant 0 : i32
    %dma_wait3A_129 = arith.constant 0 : i32
    %dma_wait3A_130 = tpu.memref_slice %arg8[%dma_wait3A_126, %dma_wait3A_128, %dma_wait3A_129] : memref<2x256x128xi32, #tpu.memory_space<vmem>> -> memref<1x256x128xi32, #tpu.memory_space<vmem>>
    %dma_wait3A_131 = tpu.memref_squeeze %dma_wait3A_130 : memref<1x256x128xi32, #tpu.memory_space<vmem>> -> memref<256x128xi32, #tpu.memory_space<vmem>>
    %dma_wait3A_132 = arith.constant 0 : i32
    %dma_wait3A_133 = arith.constant 0 : i32
    %dma_wait3A_134 = tpu.memref_slice %arg2[%dma_wait3A_132, %dma_wait3A_133] : memref<10000x128xi32, #tpu.memory_space<hbm>> -> memref<256x128xi32, #tpu.memory_space<hbm>>
    %dma_wait3A_135 = tpu.memref_slice %arg10[%dma_wait3A_127] : memref<2x!tpu.dma_semaphore, #tpu.memory_space<semaphore_mem>> -> memref<1x!tpu.dma_semaphore, #tpu.memory_space<semaphore_mem>>
    %dma_wait3A_136 = tpu.memref_squeeze %dma_wait3A_135 : memref<1x!tpu.dma_semaphore, #tpu.memory_space<semaphore_mem>> -> memref<!tpu.dma_semaphore, #tpu.memory_space<semaphore_mem>>
    %dma_wait3A_137 = arith.constant 0 : i32
    %dma_wait3A_138 = arith.constant 0 : i32
    %dma_wait3A_139 = tpu.memref_slice %arg8[%dma_wait3A_126, %dma_wait3A_137, %dma_wait3A_138] : memref<2x256x128xi32, #tpu.memory_space<vmem>> -> memref<1x256x128xi32, #tpu.memory_space<vmem>>
    %dma_wait3A_140 = tpu.memref_squeeze %dma_wait3A_139 : memref<1x256x128xi32, #tpu.memory_space<vmem>> -> memref<256x128xi32, #tpu.memory_space<vmem>>
    %dma_wait3A_141 = arith.constant 0 : i32
    %dma_wait3A_142 = arith.constant 0 : i32
    %dma_wait3A_143 = tpu.memref_slice %arg2[%dma_wait3A_141, %dma_wait3A_142] : memref<10000x128xi32, #tpu.memory_space<hbm>> -> memref<256x128xi32, #tpu.memory_space<hbm>>
    tpu.wait_dma2 semaphore(%dma_wait3A_136 : memref<!tpu.dma_semaphore, #tpu.memory_space<semaphore_mem>>) src(%dma_wait3A_143 : memref<256x128xi32, #tpu.memory_space<hbm>>) dst(%dma_wait3A_140 : memref<256x128xi32, #tpu.memory_space<vmem>>)
    %add3A_144 = arith.constant 0 : i32
    %add3A_145 = arith.addi %sub3A_19, %add3A_144 : i32
    %min3A_146 = arith.constant 159744 : i32
    %min3A_147 = arith.minsi %add3A_145, %min3A_146 : i32
    %multiple_of3A_148 = tpu.assume_multiple %min3A_147, 8 : i32
    %dma_wait3A_149 = arith.constant 1 : i32
    %dma_wait3A_150 = arith.constant 256 : i32
    %dma_wait3A_151 = tpu.memref_slice %arg7[%dma_wait3A_150] : memref<512xi32, #tpu.memory_space<vmem>> -> memref<256xi32, #tpu.memory_space<vmem>>
    %dma_wait3A_152 = tpu.memref_slice %arg4[%multiple_of3A_148] : memref<160000xi32, #tpu.memory_space<hbm>> -> memref<256xi32, #tpu.memory_space<hbm>>
    %dma_wait3A_153 = tpu.memref_slice %arg11[%dma_wait3A_149] : memref<2x!tpu.dma_semaphore, #tpu.memory_space<semaphore_mem>> -> memref<1x!tpu.dma_semaphore, #tpu.memory_space<semaphore_mem>>
    %dma_wait3A_154 = tpu.memref_squeeze %dma_wait3A_153 : memref<1x!tpu.dma_semaphore, #tpu.memory_space<semaphore_mem>> -> memref<!tpu.dma_semaphore, #tpu.memory_space<semaphore_mem>>
    %dma_wait3A_155 = arith.constant 256 : i32
    %dma_wait3A_156 = tpu.memref_slice %arg7[%dma_wait3A_155] : memref<512xi32, #tpu.memory_space<vmem>> -> memref<256xi32, #tpu.memory_space<vmem>>
    %dma_wait3A_157 = tpu.memref_slice %arg4[%multiple_of3A_148] : memref<160000xi32, #tpu.memory_space<hbm>> -> memref<256xi32, #tpu.memory_space<hbm>>
    tpu.wait_dma2 semaphore(%dma_wait3A_154 : memref<!tpu.dma_semaphore, #tpu.memory_space<semaphore_mem>>) src(%dma_wait3A_157 : memref<256xi32, #tpu.memory_space<hbm>>) dst(%dma_wait3A_156 : memref<256xi32, #tpu.memory_space<vmem>>)
    %while3A_158:17 = scf.while (%while3A_177 = %while3A_125#0, %while3A_178 = %while3A_125#1, %while3A_179 = %while3A_125#2, %while3A_180 = %while3A_125#3, %while3A_181 = %while3A_125#4, %while3A_182 = %while3A_125#5, %while3A_183 = %while3A_125#6, %while3A_184 = %while3A_125#7, %while3A_185 = %while3A_125#8, %while3A_186 = %while3A_125#9, %while3A_187 = %while3A_125#10, %while3A_188 = %while3A_125#11, %while3A_189 = %while3A_125#12, %while3A_190 = %while3A_125#13, %while3A_191 = %while3A_125#14, %while3A_192 = %while3A_125#15, %while3A_193 = %while3A_125#16) : (i32, vector<16xf32>, vector<16xf32>, vector<16xf32>, vector<16xf32>, vector<16xf32>, vector<16xf32>, vector<16xf32>, vector<16xf32>, vector<16xf32>, vector<16xf32>, vector<16xf32>, vector<16xf32>, vector<16xf32>, vector<16xf32>, vector<16xf32>, vector<16xf32>) -> (i32, vector<16xf32>, vector<16xf32>, vector<16xf32>, vector<16xf32>, vector<16xf32>, vector<16xf32>, vector<16xf32>, vector<16xf32>, vector<16xf32>, vector<16xf32>, vector<16xf32>, vector<16xf32>, vector<16xf32>, vector<16xf32>, vector<16xf32>, vector<16xf32>) {
      %lt3A = arith.constant 320 : i32
      %lt3A_194 = arith.cmpi slt, %while3A_177, %lt3A : i32
      scf.condition(%lt3A_194) %while3A_177, %while3A_178, %while3A_179, %while3A_180, %while3A_181, %while3A_182, %while3A_183, %while3A_184, %while3A_185, %while3A_186, %while3A_187, %while3A_188, %while3A_189, %while3A_190, %while3A_191, %while3A_192, %while3A_193 : i32, vector<16xf32>, vector<16xf32>, vector<16xf32>, vector<16xf32>, vector<16xf32>, vector<16xf32>, vector<16xf32>, vector<16xf32>, vector<16xf32>, vector<16xf32>, vector<16xf32>, vector<16xf32>, vector<16xf32>, vector<16xf32>, vector<16xf32>, vector<16xf32>
    } do {
    ^bb0(%while3A_177: i32, %while3A_178: vector<16xf32>, %while3A_179: vector<16xf32>, %while3A_180: vector<16xf32>, %while3A_181: vector<16xf32>, %while3A_182: vector<16xf32>, %while3A_183: vector<16xf32>, %while3A_184: vector<16xf32>, %while3A_185: vector<16xf32>, %while3A_186: vector<16xf32>, %while3A_187: vector<16xf32>, %while3A_188: vector<16xf32>, %while3A_189: vector<16xf32>, %while3A_190: vector<16xf32>, %while3A_191: vector<16xf32>, %while3A_192: vector<16xf32>, %while3A_193: vector<16xf32>):
      %div3A_194 = arith.constant 80 : i32
      %div3A_195 = arith.divsi %while3A_177, %div3A_194 : i32
      %rem3A_196 = arith.constant 2 : i32
      %rem3A_197 = arith.remsi %div3A_195, %rem3A_196 : i32
      %mul3A_198 = arith.constant 80 : i32
      %mul3A_199 = arith.muli %div3A_195, %mul3A_198 : i32
      %sub3A_200 = arith.subi %while3A_177, %mul3A_199 : i32
      %swap3A = arith.index_cast %rem3A_197 : i32 to index
      %swap3A_201 = arith.index_cast %sub3A_200 : i32 to index
      %swap3A_202 = arith.constant 0 : index
      %swap3A_203 = tpu.vector_load %arg9[%swap3A, %swap3A_201, %swap3A_202] {strides = array<i32>} : memref<2x80x256xf32, #tpu.memory_space<vmem>>, vector<16xf32>,
      tpu.vector_store %arg9[%swap3A, %swap3A_201, %swap3A_202], %while3A_178 {strides = array<i32>} : memref<2x80x256xf32, #tpu.memory_space<vmem>>, vector<16xf32>,
      %swap3A_204 = arith.index_cast %rem3A_197 : i32 to index
      %swap3A_205 = arith.index_cast %sub3A_200 : i32 to index
      %swap3A_206 = arith.constant 16 : index
      %swap3A_207 = tpu.vector_load %arg9[%swap3A_204, %swap3A_205, %swap3A_206] {strides = array<i32>} : memref<2x80x256xf32, #tpu.memory_space<vmem>>, vector<16xf32>,
      tpu.vector_store %arg9[%swap3A_204, %swap3A_205, %swap3A_206], %while3A_179 {strides = array<i32>} : memref<2x80x256xf32, #tpu.memory_space<vmem>>, vector<16xf32>,
      %swap3A_208 = arith.index_cast %rem3A_197 : i32 to index
      %swap3A_209 = arith.index_cast %sub3A_200 : i32 to index
      %swap3A_210 = arith.constant 32 : index
      %swap3A_211 = tpu.vector_load %arg9[%swap3A_208, %swap3A_209, %swap3A_210] {strides = array<i32>} : memref<2x80x256xf32, #tpu.memory_space<vmem>>, vector<16xf32>,
      tpu.vector_store %arg9[%swap3A_208, %swap3A_209, %swap3A_210], %while3A_180 {strides = array<i32>} : memref<2x80x256xf32, #tpu.memory_space<vmem>>, vector<16xf32>,
      %swap3A_212 = arith.index_cast %rem3A_197 : i32 to index
      %swap3A_213 = arith.index_cast %sub3A_200 : i32 to index
      %swap3A_214 = arith.constant 48 : index
      %swap3A_215 = tpu.vector_load %arg9[%swap3A_212, %swap3A_213, %swap3A_214] {strides = array<i32>} : memref<2x80x256xf32, #tpu.memory_space<vmem>>, vector<16xf32>,
      tpu.vector_store %arg9[%swap3A_212, %swap3A_213, %swap3A_214], %while3A_181 {strides = array<i32>} : memref<2x80x256xf32, #tpu.memory_space<vmem>>, vector<16xf32>,
      %swap3A_216 = arith.index_cast %rem3A_197 : i32 to index
      %swap3A_217 = arith.index_cast %sub3A_200 : i32 to index
      %swap3A_218 = arith.constant 64 : index
      %swap3A_219 = tpu.vector_load %arg9[%swap3A_216, %swap3A_217, %swap3A_218] {strides = array<i32>} : memref<2x80x256xf32, #tpu.memory_space<vmem>>, vector<16xf32>,
      tpu.vector_store %arg9[%swap3A_216, %swap3A_217, %swap3A_218], %while3A_182 {strides = array<i32>} : memref<2x80x256xf32, #tpu.memory_space<vmem>>, vector<16xf32>,
      %swap3A_220 = arith.index_cast %rem3A_197 : i32 to index
      %swap3A_221 = arith.index_cast %sub3A_200 : i32 to index
      %swap3A_222 = arith.constant 80 : index
      %swap3A_223 = tpu.vector_load %arg9[%swap3A_220, %swap3A_221, %swap3A_222] {strides = array<i32>} : memref<2x80x256xf32, #tpu.memory_space<vmem>>, vector<16xf32>,
      tpu.vector_store %arg9[%swap3A_220, %swap3A_221, %swap3A_222], %while3A_183 {strides = array<i32>} : memref<2x80x256xf32, #tpu.memory_space<vmem>>, vector<16xf32>,
      %swap3A_224 = arith.index_cast %rem3A_197 : i32 to index
      %swap3A_225 = arith.index_cast %sub3A_200 : i32 to index
      %swap3A_226 = arith.constant 96 : index
      %swap3A_227 = tpu.vector_load %arg9[%swap3A_224, %swap3A_225, %swap3A_226] {strides = array<i32>} : memref<2x80x256xf32, #tpu.memory_space<vmem>>, vector<16xf32>,
      tpu.vector_store %arg9[%swap3A_224, %swap3A_225, %swap3A_226], %while3A_184 {strides = array<i32>} : memref<2x80x256xf32, #tpu.memory_space<vmem>>, vector<16xf32>,
      %swap3A_228 = arith.index_cast %rem3A_197 : i32 to index
      %swap3A_229 = arith.index_cast %sub3A_200 : i32 to index
      %swap3A_230 = arith.constant 112 : index
      %swap3A_231 = tpu.vector_load %arg9[%swap3A_228, %swap3A_229, %swap3A_230] {strides = array<i32>} : memref<2x80x256xf32, #tpu.memory_space<vmem>>, vector<16xf32>,
      tpu.vector_store %arg9[%swap3A_228, %swap3A_229, %swap3A_230], %while3A_185 {strides = array<i32>} : memref<2x80x256xf32, #tpu.memory_space<vmem>>, vector<16xf32>,
      %swap3A_232 = arith.index_cast %rem3A_197 : i32 to index
      %swap3A_233 = arith.index_cast %sub3A_200 : i32 to index
      %swap3A_234 = arith.constant 128 : index
      %swap3A_235 = tpu.vector_load %arg9[%swap3A_232, %swap3A_233, %swap3A_234] {strides = array<i32>} : memref<2x80x256xf32, #tpu.memory_space<vmem>>, vector<16xf32>,
      tpu.vector_store %arg9[%swap3A_232, %swap3A_233, %swap3A_234], %while3A_186 {strides = array<i32>} : memref<2x80x256xf32, #tpu.memory_space<vmem>>, vector<16xf32>,
      %swap3A_236 = arith.index_cast %rem3A_197 : i32 to index
      %swap3A_237 = arith.index_cast %sub3A_200 : i32 to index
      %swap3A_238 = arith.constant 144 : index
      %swap3A_239 = tpu.vector_load %arg9[%swap3A_236, %swap3A_237, %swap3A_238] {strides = array<i32>} : memref<2x80x256xf32, #tpu.memory_space<vmem>>, vector<16xf32>,
      tpu.vector_store %arg9[%swap3A_236, %swap3A_237, %swap3A_238], %while3A_187 {strides = array<i32>} : memref<2x80x256xf32, #tpu.memory_space<vmem>>, vector<16xf32>,
      %swap3A_240 = arith.index_cast %rem3A_197 : i32 to index
      %swap3A_241 = arith.index_cast %sub3A_200 : i32 to index
      %swap3A_242 = arith.constant 160 : index
      %swap3A_243 = tpu.vector_load %arg9[%swap3A_240, %swap3A_241, %swap3A_242] {strides = array<i32>} : memref<2x80x256xf32, #tpu.memory_space<vmem>>, vector<16xf32>,
      tpu.vector_store %arg9[%swap3A_240, %swap3A_241, %swap3A_242], %while3A_188 {strides = array<i32>} : memref<2x80x256xf32, #tpu.memory_space<vmem>>, vector<16xf32>,
      %swap3A_244 = arith.index_cast %rem3A_197 : i32 to index
      %swap3A_245 = arith.index_cast %sub3A_200 : i32 to index
      %swap3A_246 = arith.constant 176 : index
      %swap3A_247 = tpu.vector_load %arg9[%swap3A_244, %swap3A_245, %swap3A_246] {strides = array<i32>} : memref<2x80x256xf32, #tpu.memory_space<vmem>>, vector<16xf32>,
      tpu.vector_store %arg9[%swap3A_244, %swap3A_245, %swap3A_246], %while3A_189 {strides = array<i32>} : memref<2x80x256xf32, #tpu.memory_space<vmem>>, vector<16xf32>,
      %swap3A_248 = arith.index_cast %rem3A_197 : i32 to index
      %swap3A_249 = arith.index_cast %sub3A_200 : i32 to index
      %swap3A_250 = arith.constant 192 : index
      %swap3A_251 = tpu.vector_load %arg9[%swap3A_248, %swap3A_249, %swap3A_250] {strides = array<i32>} : memref<2x80x256xf32, #tpu.memory_space<vmem>>, vector<16xf32>,
      tpu.vector_store %arg9[%swap3A_248, %swap3A_249, %swap3A_250], %while3A_190 {strides = array<i32>} : memref<2x80x256xf32, #tpu.memory_space<vmem>>, vector<16xf32>,
      %swap3A_252 = arith.index_cast %rem3A_197 : i32 to index
      %swap3A_253 = arith.index_cast %sub3A_200 : i32 to index
      %swap3A_254 = arith.constant 208 : index
      %swap3A_255 = tpu.vector_load %arg9[%swap3A_252, %swap3A_253, %swap3A_254] {strides = array<i32>} : memref<2x80x256xf32, #tpu.memory_space<vmem>>, vector<16xf32>,
      tpu.vector_store %arg9[%swap3A_252, %swap3A_253, %swap3A_254], %while3A_191 {strides = array<i32>} : memref<2x80x256xf32, #tpu.memory_space<vmem>>, vector<16xf32>,
      %swap3A_256 = arith.index_cast %rem3A_197 : i32 to index
      %swap3A_257 = arith.index_cast %sub3A_200 : i32 to index
      %swap3A_258 = arith.constant 224 : index
      %swap3A_259 = tpu.vector_load %arg9[%swap3A_256, %swap3A_257, %swap3A_258] {strides = array<i32>} : memref<2x80x256xf32, #tpu.memory_space<vmem>>, vector<16xf32>,
      tpu.vector_store %arg9[%swap3A_256, %swap3A_257, %swap3A_258], %while3A_192 {strides = array<i32>} : memref<2x80x256xf32, #tpu.memory_space<vmem>>, vector<16xf32>,
      %swap3A_260 = arith.index_cast %rem3A_197 : i32 to index
      %swap3A_261 = arith.index_cast %sub3A_200 : i32 to index
      %swap3A_262 = arith.constant 240 : index
      %swap3A_263 = tpu.vector_load %arg9[%swap3A_260, %swap3A_261, %swap3A_262] {strides = array<i32>} : memref<2x80x256xf32, #tpu.memory_space<vmem>>, vector<16xf32>,
      tpu.vector_store %arg9[%swap3A_260, %swap3A_261, %swap3A_262], %while3A_193 {strides = array<i32>} : memref<2x80x256xf32, #tpu.memory_space<vmem>>, vector<16xf32>,
      %eq3A = arith.constant 79 : i32
      %eq3A_264 = arith.cmpi eq, %sub3A_200, %eq3A : i32
      %convert_element_type3A_265 = arith.extui %eq3A_264 : i1 to i32
      %cond3A_266 = arith.constant 0 : i32
      %cond3A_267 = arith.cmpi ne, %convert_element_type3A_265, %cond3A_266 : i32
      scf.if %cond3A_267 {
        %mul3A_270 = arith.constant 80 : i32
        %mul3A_271 = arith.muli %div3A_195, %mul3A_270 : i32
        %add3A_272 = arith.addi %multiple_of3A, %mul3A_271 : i32
        %dma_start3A_273 = arith.constant 0 : i32
        %dma_start3A_274 = arith.constant 0 : i32
        %dma_start3A_275 = tpu.memref_slice %arg9[%rem3A_197, %dma_start3A_273, %dma_start3A_274] : memref<2x80x256xf32, #tpu.memory_space<vmem>> -> memref<1x80x256xf32, #tpu.memory_space<vmem>>
        %dma_start3A_276 = tpu.memref_squeeze %dma_start3A_275 : memref<1x80x256xf32, #tpu.memory_space<vmem>> -> memref<80x256xf32, #tpu.memory_space<vmem>>
        %dma_start3A_277 = arith.constant 0 : i32
        %dma_start3A_278 = tpu.memref_slice %arg5[%add3A_272, %dma_start3A_277] : memref<10000x256xf32, #tpu.memory_space<hbm>> -> memref<80x256xf32, #tpu.memory_space<hbm>>
        %dma_start3A_279 = tpu.memref_slice %arg12[%rem3A_197] : memref<2x!tpu.dma_semaphore, #tpu.memory_space<semaphore_mem>> -> memref<1x!tpu.dma_semaphore, #tpu.memory_space<semaphore_mem>>
        %dma_start3A_280 = tpu.memref_squeeze %dma_start3A_279 : memref<1x!tpu.dma_semaphore, #tpu.memory_space<semaphore_mem>> -> memref<!tpu.dma_semaphore, #tpu.memory_space<semaphore_mem>>
        %dma_start3A_281 = arith.constant 0 : i32
        %dma_start3A_282 = tpu.memref_slice %arg5[%add3A_272, %dma_start3A_281] : memref<10000x256xf32, #tpu.memory_space<hbm>> -> memref<80x256xf32, #tpu.memory_space<hbm>>
        %dma_start3A_283 = arith.constant 0 : i32
        %dma_start3A_284 = arith.constant 0 : i32
        %dma_start3A_285 = tpu.memref_slice %arg9[%rem3A_197, %dma_start3A_283, %dma_start3A_284] : memref<2x80x256xf32, #tpu.memory_space<vmem>> -> memref<1x80x256xf32, #tpu.memory_space<vmem>>
        %dma_start3A_286 = tpu.memref_squeeze %dma_start3A_285 : memref<1x80x256xf32, #tpu.memory_space<vmem>> -> memref<80x256xf32, #tpu.memory_space<vmem>>
        tpu.enqueue_dma source(%dma_start3A_286 : memref<80x256xf32, #tpu.memory_space<vmem>>) target(%dma_start3A_282 : memref<80x256xf32, #tpu.memory_space<hbm>>) target_semaphore(%dma_start3A_280 : memref<!tpu.dma_semaphore, #tpu.memory_space<semaphore_mem>>)
        %gt3A_287 = arith.constant 0 : i32
        %gt3A_288 = arith.cmpi sgt, %div3A_195, %gt3A_287 : i32
        %convert_element_type3A_289 = arith.extui %gt3A_288 : i1 to i32
        %cond3A_290 = arith.constant 0 : i32
        %cond3A_291 = arith.cmpi ne, %convert_element_type3A_289, %cond3A_290 : i32
        scf.if %cond3A_291 {
          %sub3A_292 = arith.constant 1 : i32
          %sub3A_293 = arith.subi %sub3A_292, %rem3A_197 : i32
          %add3A_294 = arith.constant 0 : i32
          %add3A_295 = arith.addi %multiple_of3A, %add3A_294 : i32
          %dma_wait3A_296 = arith.constant 0 : i32
          %dma_wait3A_297 = arith.constant 0 : i32
          %dma_wait3A_298 = tpu.memref_slice %arg9[%sub3A_293, %dma_wait3A_296, %dma_wait3A_297] : memref<2x80x256xf32, #tpu.memory_space<vmem>> -> memref<1x80x256xf32, #tpu.memory_space<vmem>>
          %dma_wait3A_299 = tpu.memref_squeeze %dma_wait3A_298 : memref<1x80x256xf32, #tpu.memory_space<vmem>> -> memref<80x256xf32, #tpu.memory_space<vmem>>
          %dma_wait3A_300 = arith.constant 0 : i32
          %dma_wait3A_301 = tpu.memref_slice %arg5[%add3A_295, %dma_wait3A_300] : memref<10000x256xf32, #tpu.memory_space<hbm>> -> memref<80x256xf32, #tpu.memory_space<hbm>>
          %dma_wait3A_302 = tpu.memref_slice %arg12[%sub3A_293] : memref<2x!tpu.dma_semaphore, #tpu.memory_space<semaphore_mem>> -> memref<1x!tpu.dma_semaphore, #tpu.memory_space<semaphore_mem>>
          %dma_wait3A_303 = tpu.memref_squeeze %dma_wait3A_302 : memref<1x!tpu.dma_semaphore, #tpu.memory_space<semaphore_mem>> -> memref<!tpu.dma_semaphore, #tpu.memory_space<semaphore_mem>>
          %dma_wait3A_304 = arith.constant 0 : i32
          %dma_wait3A_305 = tpu.memref_slice %arg5[%add3A_295, %dma_wait3A_304] : memref<10000x256xf32, #tpu.memory_space<hbm>> -> memref<80x256xf32, #tpu.memory_space<hbm>>
          %dma_wait3A_306 = arith.constant 0 : i32
          %dma_wait3A_307 = arith.constant 0 : i32
          %dma_wait3A_308 = tpu.memref_slice %arg9[%sub3A_293, %dma_wait3A_306, %dma_wait3A_307] : memref<2x80x256xf32, #tpu.memory_space<vmem>> -> memref<1x80x256xf32, #tpu.memory_space<vmem>>
          %dma_wait3A_309 = tpu.memref_squeeze %dma_wait3A_308 : memref<1x80x256xf32, #tpu.memory_space<vmem>> -> memref<80x256xf32, #tpu.memory_space<vmem>>
          tpu.wait_dma2 semaphore(%dma_wait3A_303 : memref<!tpu.dma_semaphore, #tpu.memory_space<semaphore_mem>>) src(%dma_wait3A_309 : memref<80x256xf32, #tpu.memory_space<vmem>>) dst(%dma_wait3A_305 : memref<80x256xf32, #tpu.memory_space<hbm>>)
        } else {
        }
      } else {
      }
      %add3A_268 = arith.constant 1 : i32
      %add3A_269 = arith.addi %while3A_177, %add3A_268 : i32
      scf.yield %add3A_269, %broadcast_in_dim3A_31, %broadcast_in_dim3A_33, %broadcast_in_dim3A_35, %broadcast_in_dim3A_37, %broadcast_in_dim3A_39, %broadcast_in_dim3A_41, %broadcast_in_dim3A_43, %broadcast_in_dim3A_45, %broadcast_in_dim3A_47, %broadcast_in_dim3A_49, %broadcast_in_dim3A_51, %broadcast_in_dim3A_53, %broadcast_in_dim3A_55, %broadcast_in_dim3A_57, %broadcast_in_dim3A_59, %broadcast_in_dim3A_61 : i32, vector<16xf32>, vector<16xf32>, vector<16xf32>, vector<16xf32>, vector<16xf32>, vector<16xf32>, vector<16xf32>, vector<16xf32>, vector<16xf32>, vector<16xf32>, vector<16xf32>, vector<16xf32>, vector<16xf32>, vector<16xf32>, vector<16xf32>, vector<16xf32>
    }
    %add3A_159 = arith.constant 0 : i32
    %add3A_160 = arith.addi %multiple_of3A, %add3A_159 : i32
    %dma_wait3A_161 = arith.constant 1 : i32
    %dma_wait3A_162 = arith.constant 1 : i32
    %dma_wait3A_163 = arith.constant 0 : i32
    %dma_wait3A_164 = arith.constant 0 : i32
    %dma_wait3A_165 = tpu.memref_slice %arg9[%dma_wait3A_161, %dma_wait3A_163, %dma_wait3A_164] : memref<2x80x256xf32, #tpu.memory_space<vmem>> -> memref<1x80x256xf32, #tpu.memory_space<vmem>>
    %dma_wait3A_166 = tpu.memref_squeeze %dma_wait3A_165 : memref<1x80x256xf32, #tpu.memory_space<vmem>> -> memref<80x256xf32, #tpu.memory_space<vmem>>
    %dma_wait3A_167 = arith.constant 0 : i32
    %dma_wait3A_168 = tpu.memref_slice %arg5[%add3A_160, %dma_wait3A_167] : memref<10000x256xf32, #tpu.memory_space<hbm>> -> memref<80x256xf32, #tpu.memory_space<hbm>>
    %dma_wait3A_169 = tpu.memref_slice %arg12[%dma_wait3A_162] : memref<2x!tpu.dma_semaphore, #tpu.memory_space<semaphore_mem>> -> memref<1x!tpu.dma_semaphore, #tpu.memory_space<semaphore_mem>>
    %dma_wait3A_170 = tpu.memref_squeeze %dma_wait3A_169 : memref<1x!tpu.dma_semaphore, #tpu.memory_space<semaphore_mem>> -> memref<!tpu.dma_semaphore, #tpu.memory_space<semaphore_mem>>
    %dma_wait3A_171 = arith.constant 0 : i32
    %dma_wait3A_172 = tpu.memref_slice %arg5[%add3A_160, %dma_wait3A_171] : memref<10000x256xf32, #tpu.memory_space<hbm>> -> memref<80x256xf32, #tpu.memory_space<hbm>>
    %dma_wait3A_173 = arith.constant 0 : i32
    %dma_wait3A_174 = arith.constant 0 : i32
    %dma_wait3A_175 = tpu.memref_slice %arg9[%dma_wait3A_161, %dma_wait3A_173, %dma_wait3A_174] : memref<2x80x256xf32, #tpu.memory_space<vmem>> -> memref<1x80x256xf32, #tpu.memory_space<vmem>>
    %dma_wait3A_176 = tpu.memref_squeeze %dma_wait3A_175 : memref<1x80x256xf32, #tpu.memory_space<vmem>> -> memref<80x256xf32, #tpu.memory_space<vmem>>
    tpu.wait_dma2 semaphore(%dma_wait3A_170 : memref<!tpu.dma_semaphore, #tpu.memory_space<semaphore_mem>>) src(%dma_wait3A_176 : memref<80x256xf32, #tpu.memory_space<vmem>>) dst(%dma_wait3A_172 : memref<80x256xf32, #tpu.memory_space<hbm>>)
    return
  }
}

</mosaic_0001>

<sc_bundles>
// kernel: _sc_gnn.3.cloned.1.call-start
scs
__scs_entry_jumppad:
0x0: {  	(pc) =	sbr.rel $0x88, $3  }
0x1: {  	(tag) =	ssettag $0x0;
	lr =	simm.s32 $0x1  }
0x2: {  	[smem:$0x3F9E] =	sst lr;
	_ =	strace $0xD0000000  }
0x3: {  	_ = 	snop  }
0x4: {  	_ = 	snop  }
0x5: {  	_ = 	snop  }
0x6: {  	_ = 	snop  }
0x7: {  	_ = 	snop  }
__scs_overlays_trampoline_lowered:
0x8: {  	[smem:$0x3FAD] =	sst s0  }
0x9: {  	[smem:$0x3FAE] =	sst s1  }
0xa: {  	[smem:$0x3FAF] =	sst s2  }
0xb: {  	[smem:$0x3FB0] =	sst s3  }
0xc: {  	[smem:$0x3FB1] =	sst s4  }
0xd: {  	[smem:$0x3FB2] =	sst s5  }
0xe: {  	[smem:$0x3FB3] =	sst s6  }
0xf: {  	[smem:$0x3FB4] =	sst s7  }
0x10: {  	[smem:$0x3FB5] =	sst s8  }
0x11: {  	[smem:$0x3FB6] =	sst s9;
	s0 =	simm.s32 @!p0 $0x0  }
0x12: {  	s1 =	sld [smem:$0x3F9C];
	s0 =	simm.s32 @p0 $0x1  }
0x13: {  	[smem:$0x3FB7] =	sst s0;
	s0 =	simm.s32 @!p1 $0x0  }
0x14: {  	s2 =	sld [smem:$0x3F9B];
	s0 =	simm.s32 @p1 $0x1  }
0x15: {  	[smem:$0x3FB8] =	sst s0;
	s0 =	simm.s32 @!p2 $0x0  }
0x16: {  	s3 =	sld [smem:$0x3FDB];
	s0 =	simm.s32 @p2 $0x1  }
0x17: {  	s4 =	simm.s32 $0x1BF5;
	[smem:$0x3FBA] =	sst s0  }
0x18: {  	s0 =	sld [smem:$0x3F9D];
	_ =	swait.ge [sflag:s4], $0x0  }
0x19: {  	s7 =	sld [smem:$0x3F9E]  }
0x1a: {  	s8 =	sadd.s32 $0xFFFFE003, lr  }
0x1b: {  	s9 =	sadd.s32 $0xFFFFFEF7, lr;
	s5 =	simm.s32 $0xFFFFFFFF;
	p2 =	slt.u32 s8, $0xFFFFF086  }
0x1c: {  	p1 =	slt.u32 s9, $0xF7A;
	s5 =	simm.s32 @!p2 $0x0  }
0x1d: {  	s5 =	simm.s32 @p1 $0x1;
	p0 =	seq.s32 s7, s2  }
0x1e: {  	s7 =	smul.u32 @!p0 $0xF7A, s2;
	p2 =	seq.s32 @!p0 s5, $0x0  }
0x1f: {  	s9 =	smul.u32 $0xF7A, s1;
	s8 =	simm.s32 @!p0 $0x1BF5;
	p2 =	por !p2, p0  }
0x20: {  	[sflag:s8] =	ssyncset.s32 @!p0 $0xFFFFF086;
	s6 =	sadd.s32 @!p0 s3, s7;
	s7 =	simm.s32 @!p0 $0x108  }
0x21: {  	s3 =	sadd.s32 s3, s9;
	s6 =	sadd.s32 @!p0 $0x88, s6;
	s7 =	simm.s32 @p2 $0x1082  }
0x22: {  	[simem:s7], [sflag:s8] =	dma.local @!p0 [hbm:s6], $0xF7A  }
0x23: {  	s9 =	sor.u32 $0xD0000000, s2;
	s6 =	simm.s32 $0x108;
	_ =	swait.ge @!p0 [sflag:s8], $0x0  }
0x24: {  	s3 =	sadd.s32 $0x88, s3;
	s6 =	simm.s32 @!p1 $0x1082;
	[sflag:s4] =	ssyncset.s32 $0xFFFFF086  }
0x25: {  	[simem:s6], [sflag:s4] =	dma.local [hbm:s3], $0xF7A  }
0x26: {  	[smem:$0x3F9E] =	sst s1;
	(tag) =	ssettag s2;
	_ =	strace s9  }
0x27: {  	s1 =	sld [smem:$0x3FAE]  }
0x28: {  	s2 =	sld [smem:$0x3FAF]  }
0x29: {  	s4 =	sld [smem:$0x3FB1]  }
0x2a: {  	p0 =	seq.s32 s5, $0x0;
	s5 =	sld [smem:$0x3FB2]  }
0x2b: {  	s6 =	sld [smem:$0x3FB3]  }
0x2c: {  	s7 =	sld [smem:$0x3FB4]  }
0x2d: {  	s3 =	simm.s32 $0x108;
	s8 =	sld [smem:$0x3FB5]  }
0x2e: {  	s3 =	simm.s32 @!p0 $0x1082;
	s9 =	sld [smem:$0x3FB6]  }
0x2f: {  	lr =	sadd.s32 s0, s3;
	s0 =	sld [smem:$0x3FAD]  }
0x30: {  	s3 =	sld [smem:$0x3FB0]  }
0x31: {  	[smem:$0x3FB9] =	sst s10  }
0x32: {  	s10 =	sld [smem:$0x3FB7];
	_ =	sdelay $0x3  }
0x33: {  	p0 =	seq.s32 s10, $0x1;
	s10 =	sld [smem:$0x3FB9];
	_ =	sdelay $0x3  }
0x34: {  	[smem:$0x3FB9] =	sst s10  }
0x35: {  	s10 =	sld [smem:$0x3FB8];
	_ =	sdelay $0x3  }
0x36: {  	p1 =	seq.s32 s10, $0x1;
	s10 =	sld [smem:$0x3FB9];
	_ =	sdelay $0x3  }
0x37: {  	[smem:$0x3FB9] =	sst s10  }
0x38: {  	s10 =	sld [smem:$0x3FBA]  }
0x39: {  	_ = 	snop;
	(pc) =	sbr.ind lr, $3  }
0x3a: {  	_ = 	snop  }
0x3b: {  	_ = 	snop  }
0x3c: {  	p2 =	seq.s32 s10, $0x1;
	s10 =	sld [smem:$0x3FB9]  }
0x3d: {  	_ =	shalt  }
0x3e: {  	_ =	shalt  }
0x3f: {  	_ =	shalt  }
0x40: {  	_ =	shalt  }
0x41: {  	_ =	shalt  }
0x42: {  	_ =	shalt  }
0x43: {  	_ =	shalt  }
0x44: {  	_ =	shalt  }
0x45: {  	_ =	shalt  }
0x46: {  	_ =	shalt  }
0x47: {  	_ =	shalt  }
0x48: {  	_ =	shalt  }
0x49: {  	_ =	shalt  }
0x4a: {  	_ =	shalt  }
0x4b: {  	_ =	shalt  }
0x4c: {  	_ =	shalt  }
0x4d: {  	_ =	shalt  }
0x4e: {  	_ =	shalt  }
0x4f: {  	_ =	shalt  }
0x50: {  	_ =	shalt  }
0x51: {  	_ =	shalt  }
0x52: {  	_ =	shalt  }
0x53: {  	_ =	shalt  }
0x54: {  	_ =	shalt  }
0x55: {  	_ =	shalt  }
0x56: {  	_ =	shalt  }
0x57: {  	_ =	shalt  }
0x58: {  	_ =	shalt  }
0x59: {  	_ =	shalt  }
0x5a: {  	_ =	shalt  }
0x5b: {  	_ =	shalt  }
0x5c: {  	_ =	shalt  }
0x5d: {  	_ =	shalt  }
0x5e: {  	_ =	shalt  }
0x5f: {  	_ =	shalt  }
0x60: {  	_ =	shalt  }
0x61: {  	_ =	shalt  }
0x62: {  	_ =	shalt  }
0x63: {  	_ =	shalt  }
0x64: {  	_ =	shalt  }
0x65: {  	_ =	shalt  }
0x66: {  	_ =	shalt  }
0x67: {  	_ =	shalt  }
0x68: {  	_ =	shalt  }
0x69: {  	_ =	shalt  }
0x6a: {  	_ =	shalt  }
0x6b: {  	_ =	shalt  }
0x6c: {  	_ =	shalt  }
0x6d: {  	_ =	shalt  }
0x6e: {  	_ =	shalt  }
0x6f: {  	_ =	shalt  }
0x70: {  	_ =	shalt  }
0x71: {  	_ =	shalt  }
0x72: {  	_ =	shalt  }
0x73: {  	_ =	shalt  }
0x74: {  	_ =	shalt  }
0x75: {  	_ =	shalt  }
0x76: {  	_ =	shalt  }
0x77: {  	_ =	shalt  }
0x78: {  	_ =	shalt  }
0x79: {  	_ =	shalt  }
0x7a: {  	_ =	shalt  }
0x7b: {  	_ =	shalt  }
0x7c: {  	_ =	shalt  }
0x7d: {  	_ =	shalt  }
0x7e: {  	_ =	shalt  }
0x7f: {  	_ =	shalt  }
0x80: {  	_ =	shalt  }
0x81: {  	_ =	shalt  }
0x82: {  	_ =	shalt  }
0x83: {  	_ =	shalt  }
0x84: {  	_ =	shalt  }
0x85: {  	_ =	shalt  }
0x86: {  	_ =	shalt  }
0x87: {  	_ =	shalt  }
.Lfunc_end0:
.L_simem_size_0:
called_computation_lowered:
.L_overlay_start_0:
0x88: {  	s2 =	sld [smem:$0x3FD9]  }
0x89: {  	s3 =	sld [smem:$0x3FFE];
	_ =	sdelay $0x1  }
0x8a: {  	s1 =	srdreg.scid  }
0x8b: {  	s0 =	sand.u32 $0x1, s1  }
0x8c: {  	s18 =	sshll.u32 s0, $0xA;
	s2 =	sadd.s32 s3, s2  }
0x8d: {  	s2 =	sadd.s32 s2, s18  }
0x8e: {  	[smem:$0x3FC5] =	sst s2  }
0x8f: {  	_ = 	snop  }
0x90: {  	s2 =	sld [smem:$0x3FC9]  }
0x91: {  	s19 =	sld [smem:$0x3FC8]  }
0x92: {  	s4 =	sld [smem:$0x3FC7]  }
0x93: {  	s5 =	sld [smem:$0x3FD0];
	(tm) =	ssettm $0x1  }
0x94: {  	s6 =	sld [smem:$0x3FFB];
	_ =	sdelay $0x3  }
0x95: {  	_ =	strace s6  }
0x96: {  	s6 =	sld [smem:$0x3FFC];
	_ =	sdelay $0x3  }
0x97: {  	_ =	strace s6  }
0x98: {  	s6 =	sld [smem:$0x3FFD];
	_ =	sdelay $0x3  }
0x99: {  	_ =	strace s6  }
0x9a: {  	_ =	strace $0x8FFFFFFF  }
0x9b: {  	s20 =	sld [smem:$0x3FDB];
	_ =	sdelay $0x1  }
0x9c: {  	s7 =	simm.s32 $_scs_section_size  }
0x9d: {  	s8 =	simm.s32 $_size__tile_overlayer_lowered;
	s9 =	simm.s32 $_tile_overlayer_lowered  }
0x9e: {  	s23 =	simm.s32 $0x1BFF;
	s22 =	sshll.u32 s9, $0x1;
	s6 =	sadd.s32 s7, s20  }
0x9f: {  	s10 =	simm.s32 $0x0;
	s21 =	sshll.u32 s8, $0x1;
	s8 =	sadd.s32 s22, s6  }
0xa0: {  	[timem:s10], [sflag:s23] =	dma.local [hbm:s8], s21  }
0xa1: {  	_ =	swait.ge [sflag:s23], s21  }
0xa2: {  	s7 =	ssub.s32 $0x0, s21;
	[sflag:s23] =	ssyncset.done $0x0  }
0xa3: {  	[sflag:s23] =	ssyncadd.s32 s7;
	_ =	sdelay $0x1  }
0xa4: {  	s24 =	simm.s32 $0x1B8B  }
0xa5: {  	_ =	swait.ge [sflag:s24], $0x1  }
0xa6: {  	[sflag:s24] =	ssyncset.done $0x0  }
0xa7: {  	s25 =	simm.s32 $0x1B8E;
	[sflag:s24] =	ssyncadd.s32 $0xFFFFFFFF  }
0xa8: {  	s26 =	simm.s32 $execute0_lowered;
	[smem:$0x3FD2] =	sst s25  }
0xa9: {  	s7 =	sshll.u32 s26, $0x1;
	_ =	strace $0x80000046;
	[dreg:$0x1] =	wrdreg $0xFFFFFFFF  }
0xaa: {  	s28 =	simm.s32 $_size_execute0_lowered;
	s6 =	sadd.s32 s6, s7;
	[dreg:$0x0] =	wrdreg $0x0  }
0xab: {  	s7 =	sshll.u32 s28, $0x1;
	[dreg:$0x2] =	wrdreg s6  }
0xac: {  	[dreg:$0x3] =	wrdreg s7  }
0xad: {  	[dreg:$0x4] =	wrdreg $0xC0  }
0xae: {  	_ =	task [dreg:s10], $0x5FFFF  }
0xaf: {  	[dreg:$0x1] =	wrdreg $0xFFFFFFFF  }
0xb0: {  	[dreg:$0x0] =	wrdreg $0x60  }
0xb1: {  	[dreg:$0x2] =	wrdreg s2  }
0xb2: {  	[dreg:$0x3] =	wrdreg s19  }
0xb3: {  	[dreg:$0x4] =	wrdreg s4  }
0xb4: {  	[dreg:$0x5] =	wrdreg s5  }
0xb5: {  	[dreg:$0x6] =	wrdreg $0x9  }
0xb6: {  	_ =	task.clear_ibuf [dreg:s10], $0x7FFFF;
	_ =	strace $0x90000046  }
0xb7: {  	s29 =	simm.s32 $0x9;
	_ =	strace $0x80000048  }
0xb8: {  	_ =	swait.ge [sflag:s29], $0x1  }
0xb9: {  	[sflag:s29] =	ssyncadd.s32 $0xFFFFFFFF  }
0xba: {  	_ =	strace $0x90000048  }
0xbb: {  	_ =	sfence  }
0xbc: {  	s30 =	sld [smem:$0x0];
	_ =	sdelay $0x2  }
0xbd: {  	s31 =	sshll.u32 s1, $0xD;
	s1 =	sshrl.u32 s1, $0x2  }
0xbe: {  	s3 =	sand.u32 $0x4000, s31;
	s1 =	sadd.s32 s1, s30  }
0xbf: {  	s0 =	sor.u32 s3, s0;
	s1 =	sshll.u32 s1, $0x11  }
0xc0: {  	s0 =	sor.u32 s1, s0  }
0xc1: {  	s0 =	sadd.s32 $0x8F2B, s0  }
0xc2: {  	[sflag:s0] =	ssyncadd.remote.s32 $0x1  }
0xc3: {  	_ =	sfence.sel $0xFFFF  }
0xc4: {  	[dreg:$0x0] =	wrdreg $0xFFFFFFFF;
	(pc) =	sbr.abs _section_cstart, $3  }
0xc5: {  	[dreg:$0x1] =	wrdreg $0xFFFFFFFF  }
0xc6: {  	_ =	task.clear_ibuf [dreg:s10], $0x2FFFF;
	_ =	strace $0x9FFFFFFF  }
0xc7: {  	(tm) =	ssettm $0x7FFFFFFF  }
tec
execute0_lowered:
.L_overlay_start_1:
0x0: {  	(tag) =	ssettag $0x1  }
0x1: {  	s1 =	rddreg [dreg:$0x0]  }
0x2: {  	s0 =	rddreg [dreg:$0x1];
	s2 =	srdreg.scid  }
0x3: {  	s4 =	stileid.u32;
	s3 =	rddreg [dreg:$0x2]  }
0x4: {  	s14 =	simm.s32 $0x100;
	s2 =	sand.u32 $0x1, s2;
	s5 =	sshll.u32 s4, $0x1  }
0x5: {  	s18 =	simm.s32 $0x6;
	s4 =	rddreg [dreg:$0x3];
	s6 =	sor.u32 s2, s5  }
0x6: {  	s5 =	simm.s32 $0x0;
	s2 =	ssub.s32 $0x2, s2;
	s6 =	smul.u32 $0x140, s6  }
.Ltmp0:
0x7: {  	[smem:$0x7FF] =	sst s5;
	s8 =	sshrl.u32 s2, $0x1;
	(pc) =	sbr.rel .LBB2_1-.Ltmp0, $4  }
0x8: {  	_ =	strace $0x80000047;
	s2 =	ssub.s32 s2, s8;
	s7 =	smin.u32 s6, $0x25B8  }
0x9: {  	s6 =	smin.u32 s6, $0x25D0;
	s31 =	smax.u32 s2, $0x1;
	s9 =	sshrl.u32 s7, $0x3  }
0xa: {  	s7 =	ssub.s32 s6, s7;
	[dreg:$0x6] =	wrdreg s31;
	s0 =	sadd.s32 s0, s9  }
0xb: {  	s19 =	simm.s32 $0x0;
	p0 =	slt.s32 s7, $0x1;
	v0 =	vmov s7;
	[dreg:$0x5] =	wrdreg s0  }
.LBB2_25:
0xc: {  	[tilespmem:s10+$0x470] =	vst v1  }
0xd: {  	[tilespmem:s10+$0x460] =	vst v2  }
0xe: {  	[tilespmem:s10+$0x450] =	vst v13  }
0xf: {  	[tilespmem:s10+$0x440] =	vst v14  }
0x10: {  	[tilespmem:s10+$0x430] =	vst v6  }
0x11: {  	[tilespmem:s10+$0x420] =	vst v4  }
0x12: {  	[tilespmem:s10+$0x410] =	vst v8  }
0x13: {  	[tilespmem:s10+$0x400] =	vst v7  }
0x14: {  	[tilespmem:s10+$0x70] =	vst v5  }
0x15: {  	s8 =	smul.u32 $0x50, s8;
	[tilespmem:s10+$0x60] =	vst v3  }
0x16: {  	[tilespmem:s10+$0x50] =	vst v15  }
0x17: {  	[tilespmem:s10+$0x40] =	vst v16;
	p1 =	sne.s32 s8, s0  }
0x18: {  	[tilespmem:s10+$0x30] =	vst v11;
	s0 =	sadd.s32 @!p1 s6, s8;
	p2 =	slt.s32 @!p1 s11, $0x50  }
0x19: {  	[tilespmem:s10+$0x20] =	vst v9;
	s8 =	simm.s32 @!p1 $0x0;
	s0 =	sshll.u32 @!p1 s0, $0x5;
	p2 =	por p2, p1  }
0x1a: {  	[tilespmem:s10+$0x10] =	vst v10;
	s11 =	sadd.s32 @!p1 $0x5, s9;
	s0 =	sadd.s32 @!p1 s4, s0;
	s9 =	ssub.s32 @!p2 $0x6, s9  }
0x1b: {  	[hbm4b:s0+s8] =	stream.linear.scatter @!p1 [tilespmem:s2], [sflag:s11], $0x5000, $0x38;
	[tilespmem:$0x1A380] =	vst v63  }
0x1c: {  	_ =	swait.ge @!p2 [sflag:s9], $0x5000  }
0x1d: {  	[sflag:s9] =	ssyncset.done @!p2 $0x0  }
0x1e: {  	[sflag:s9] =	ssyncadd.s32 @!p2 $0xFFFFB000  }
.LBB2_26:
0x1f: {  	_ =	swait.ge [sflag:s18], $0x5000  }
0x20: {  	s19 =	sadd.s32 $0x1, s19;
	s0 =	rddreg [dreg:$0x6]  }
0x21: {  	p1 =	sne.s32 s19, s0  }
.Ltmp1:
0x22: {  	_ = 	snop;
	(pc) =	sbr.rel @!p1 .LBB2_27-.Ltmp1, $3  }
0x23: {  	_ =	sdelay $0x1  }
0x24: {  	[sflag:s18] =	ssyncset.done $0x0  }
0x25: {  	[sflag:s18] =	ssyncadd.s32 $0xFFFFB000  }
.LBB2_1:
0x26: {  	s0 =	rddreg [dreg:$0x5];
	s24 =	simm.s32 $0x7  }
0x27: {  	[tilespmem:s5], [sflag:$0x7] =	stream.linear.gather [hbm4b:s0+s5], $0x158, $0x38;
	[tilespmem:$0x1A380] =	vst v63  }
0x28: {  	_ =	swait.ge [sflag:s24], $0x158  }
0x29: {  	[sflag:s24] =	ssyncset.done $0x0  }
0x2a: {  	[sflag:s24] =	ssyncadd.s32 $0xFFFFFEA8  }
0x2b: {  	v1 =	vld [tilespmem:s7+$0x0];
	_ =	sdelay $0x1  }
0x2c: {  	v2 =	vimm.s32 @!p0 $0x27100  }
0x2d: {  	[tilespmem:s7+$0x140] =	vst @!p0 v2  }
0x2e: {  	v2 =	vld [tilespmem:s7+$0x140]  }
0x2f: {  	(v2sf) =	vpush v1, $0x0;
	_ =	sdelay $0x3  }
0x30: {  	(v2sf) =	vpush v2, $0x0;
	_ =	sdelay $0xa  }
0x31: {  	s25 =	spop (v2sf)  }
0x32: {  	s2 =	sshra.s32 s25, $0x1F  }
0x33: {  	s2 =	sshrl.u32 s2, $0x1D  }
0x34: {  	s0 =	sadd.s32 s2, s25  }
0x35: {  	s26 =	spop (v2sf);
	s20 =	sand.u32 $0xFFFFFFF8, s0  }
0x36: {  	s0 =	ssub.s32 s26, s20;
	p1 =	slt.s32 s20, $0x27000;
	s2 =	smov.u32 s20  }
0x37: {  	s0 =	sadd.s32 $0xFF, s0;
	s2 =	simm.s32 @!p1 $0x27000  }
0x38: {  	s8 =	sshra.s32 s0, $0x1F;
	s2 =	sshrl.u32 s2, $0x3  }
0x39: {  	s9 =	simm.s32 $0x180;
	s8 =	sshrl.u32 s8, $0x18;
	s2 =	sadd.s32 s3, s2  }
0x3a: {  	[tilespmem:s9], [sflag:$0x3] =	stream.linear.gather [hbm4b:s2+s5], $0x100, $0x38;
	[tilespmem:$0x1A380] =	vst v63  }
0x3b: {  	s0 =	sadd.s32 s8, s0;
	s2 =	sadd.s32 $0x100, s20  }
0x3c: {  	s29 =	simm.s32 $0x280;
	s0 =	sshra.s32 s0, $0x8;
	p1 =	slt.s32 s2, $0x27000  }
0x3d: {  	s30 =	simm.s32 $0x3;
	s0 =	sadd.s32 $0x1, s0;
	s2 =	simm.s32 @!p1 $0x27000  }
0x3e: {  	s31 =	simm.s32 $0x380;
	s28 =	sshrl.u32 s0, $0x1F;
	s2 =	sshrl.u32 s2, $0x3  }
0x3f: {  	s24 =	simm.s32 $0x0;
	s0 =	sadd.s32 s28, s0;
	s2 =	sadd.s32 s3, s2  }
0x40: {  	v13 =	vimm.f32 $0.0e+00;
	[tilespmem:s29], [sflag:$0x4] =	stream.linear.gather [hbm4b:s2+s5], $0x100, $0x38;
	[tilespmem:$0x1A380] =	vst v63  }
.Ltmp2:
0x41: {  	v14 =	vimm.f32 $0.0e+00;
	v6 =	vimm.f32 $0.0e+00;
	v4 =	vimm.f32 $0.0e+00;
	s25 =	simm.s32 $0x0;
	s0 =	sshra.s32 s0, $0x1;
	(pc) =	sbr.rel .LBB2_2-.Ltmp2, $4  }
0x42: {  	v8 =	vimm.f32 $0.0e+00;
	v7 =	vimm.f32 $0.0e+00;
	v5 =	vimm.f32 $0.0e+00;
	s22 =	sadd.s32 $0x200, s20;
	_ =	swait.ge [sflag:s30], $0x100;
	p1 =	sgt.s32 s0, $0x1  }
0x43: {  	v3 =	vimm.f32 $0.0e+00;
	v15 =	vimm.f32 $0.0e+00;
	v16 =	vimm.f32 $0.0e+00;
	s23 =	smov.u32 s20;
	[sflag:s30] =	ssyncset.done $0x0;
	s0 =	simm.s32 @!p1 $0x1  }
0x44: {  	v11 =	vimm.f32 $0.0e+00;
	v9 =	vimm.f32 $0.0e+00;
	v10 =	vimm.f32 $0.0e+00;
	p1 =	por $0x0, $0x0;
	[sflag:s30] =	ssyncadd.s32 $0xFFFFFF00;
	s21 =	sshll.u32 s0, $0x1  }
0x45: {  	v12 =	vimm.f32 $0.0e+00;
	v1 =	vimm.f32 $0.0e+00;
	v2 =	vimm.f32 $0.0e+00;
	[tilespmem:s31], [sflag:$0x1] =	stream.indirect.gather [hbm4b:s1+s14], $0x80, s9, s14, $0xb8;
	[tilespmem:$0x1A380] =	vst v63  }
.LBB2_21:
0x46: {  	s24 =	sadd.s32 $0x1, s24  }
0x47: {  	p2 =	sne.s32 s24, s21  }
.Ltmp3:
0x48: {  	_ = 	snop;
	(pc) =	sbr.rel @!p2 .LBB2_22-.Ltmp3, $2  }
0x49: {  	_ =	sdelay $0x2  }
0x4a: {  	p1 =	por !p1, !p1;
	s23 =	sadd.s32 $0x100, s23  }
.LBB2_2:
0x4b: {  	s0 =	sand.u32 $0x1, s24  }
0x4c: {  	s2 =	sxor.u32 $0x1, s0  }
0x4d: {  	s8 =	sadd.s32 $0x3, s2  }
0x4e: {  	s16 =	sshll.u32 s24, $0x8;
	s9 =	sshll.u32 s2, $0x8;
	_ =	swait.ge [sflag:s8], $0x100  }
0x4f: {  	s10 =	sshll.u32 s2, $0xF;
	s2 =	sadd.s32 $0x1, s2;
	[sflag:s8] =	ssyncset.done $0x0  }
0x50: {  	s9 =	sadd.s32 $0x180, s9;
	s15 =	sor.u32 $0x380, s10;
	[sflag:s8] =	ssyncadd.s32 $0xFFFFFF00  }
0x51: {  	[tilespmem:s15], [sflag:s2] =	stream.indirect.gather [hbm4b:s1+s14], $0x80, s9, s14, $0xb8;
	[tilespmem:$0x1A380] =	vst v63  }
0x52: {  	s9 =	sadd.s32 s16, s22  }
0x53: {  	s13 =	sadd.s32 $0x1, s25;
	s17 =	sadd.s32 $0x1, s0;
	p2 =	slt.s32 s9, $0x27000  }
0x54: {  	s26 =	sshll.u32 s0, $0x8;
	_ =	swait.ge [sflag:s17], $0x8000;
	s9 =	simm.s32 @!p2 $0x27000  }
0x55: {  	s0 =	sadd.s32 $0x3, s0;
	[sflag:s17] =	ssyncset.done $0x0;
	s9 =	sshrl.u32 s9, $0x3  }
0x56: {  	s8 =	sadd.s32 $0x180, s26;
	[sflag:s17] =	ssyncadd.s32 $0xFFFF8000;
	s9 =	sadd.s32 s3, s9  }
0x57: {  	[tilespmem:s8], [sflag:s0] =	stream.linear.gather [hbm4b:s9+s5], $0x100, $0x38;
	[tilespmem:$0x1A380] =	vst v63  }
0x58: {  	v17 =	vld.idx.msk [tilespmem:v0+s13+$0x0 ss:$0x1], $0xffff;
	_ =	sdelay $0x4  }
0x59: {  	(v2sf) =	vpush v17, $0x0;
	_ =	sdelay $0xd  }
0x5a: {  	s30 =	sadd.s32 s20, s16  }
0x5b: {  	s31 =	sadd.s32 $0x100, s30;
	p2 =	sgt.s32 s25, $0x13F;
	s11 =	spop (v2sf)  }
0x5c: {  	p3 =	slt.s32 s23, $0x27000;
	s26 =	smov.u32 s23;
	p4 =	sgt.s32 @!p2 s11, s31  }
0x5d: {  	s26 =	simm.s32 @!p3 $0x27000;
	p3 =	por p2, p4  }
.Ltmp4:
0x5e: {  	_ = 	snop;
	(pc) =	sbr.rel @p3 .LBB2_3-.Ltmp4, $4  }
0x5f: {  	_ = 	snop  }
0x60: {  	s0 =	simm.s32 $0x1  }
0x61: {  	s0 =	simm.s32 @!p1 $0x0  }
0x62: {  	s29 =	sshll.u32 s26, $0x9;
	s28 =	sshll.u32 s0, $0x11  }
.Ltmp5:
0x63: {  	(pc) =	sbr.rel .LBB2_5-.Ltmp5, $4  }
0x64: {  	_ = 	snop  }
0x65: {  	s0 =	ssub.s32 s28, s29  }
0x66: {  	s8 =	sshrl.u32 s28, $0x2;
	s2 =	sshra.s32 s0, $0x2  }
0x67: {  	s0 =	ssub.s32 $0x0, s26;
	s15 =	sadd.s32 $0x3C0, s8;
	s12 =	sadd.s32 $0x400, s2  }
.LBB2_12:
0x68: {  	s8 =	smulhi.u32 $0x66666667, s25;
	s9 =	sshra.s32 s25, $0x1F  }
0x69: {  	s9 =	smul.u32 $0x66666667, s9;
	_ =	sdelay $0x1  }
0x6a: {  	s8 =	sadd.s32 s9, s8  }
0x6b: {  	s9 =	sshrl.u32 s8, $0x1F;
	s8 =	sshra.s32 s8, $0x5  }
0x6c: {  	s8 =	sadd.s32 s9, s8  }
0x6d: {  	s9 =	sshrl.u32 s8, $0x1F  }
0x6e: {  	s9 =	sadd.s32 s9, s8  }
0x6f: {  	s9 =	sand.u32 $0xFFFFFFFE, s9  }
0x70: {  	s9 =	ssub.s32 s8, s9;
	s8 =	smul.u32 $0x50, s8  }
0x71: {  	s10 =	smul.u32 $0x14000, s9  }
0x72: {  	s11 =	ssub.s32 s25, s8  }
0x73: {  	s13 =	sshll.u32 s11, $0x8;
	s10 =	sshra.s32 s10, $0x2  }
0x74: {  	s16 =	sshll.u32 s25, $0x7;
	s13 =	sand.u32 $0xFFFFF800, s13;
	s10 =	sadd.s32 $0x10380, s10  }
0x75: {  	s16 =	sand.u32 $0x380, s16;
	s13 =	sadd.s32 s13, s10  }
0x76: {  	s13 =	sadd.s32 s16, s13  }
0x77: {  	[tilespmem:s13+$0x0] =	vst v12  }
0x78: {  	[tilespmem:s13+$0x10] =	vst v10  }
0x79: {  	[tilespmem:s13+$0x20] =	vst v9  }
0x7a: {  	[tilespmem:s13+$0x30] =	vst v11  }
0x7b: {  	[tilespmem:s13+$0x40] =	vst v16  }
0x7c: {  	[tilespmem:s13+$0x50] =	vst v15  }
0x7d: {  	[tilespmem:s13+$0x60] =	vst v3  }
0x7e: {  	[tilespmem:s13+$0x70] =	vst v5  }
0x7f: {  	[tilespmem:s13+$0x400] =	vst v7  }
0x80: {  	[tilespmem:s13+$0x410] =	vst v8  }
0x81: {  	[tilespmem:s13+$0x420] =	vst v4  }
0x82: {  	[tilespmem:s13+$0x430] =	vst v6  }
0x83: {  	p2 =	sne.s32 s11, $0x4F;
	[tilespmem:s13+$0x440] =	vst v14  }
0x84: {  	s8 =	sadd.s32 @!p2 s6, s8;
	[tilespmem:s13+$0x450] =	vst v13  }
0x85: {  	s11 =	sadd.s32 @!p2 $0x5, s9;
	s8 =	sshll.u32 @!p2 s8, $0x5;
	[tilespmem:s13+$0x460] =	vst v2  }
0x86: {  	p3 =	slt.s32 @!p2 s25, $0x50;
	s8 =	sadd.s32 @!p2 s4, s8;
	[tilespmem:s13+$0x470] =	vst v1;
	s13 =	simm.s32 @!p2 $0x0  }
0x87: {  	[hbm4b:s8+s13] =	stream.linear.scatter @!p2 [tilespmem:s10], [sflag:s11], $0x5000, $0x38;
	[tilespmem:$0x1A380] =	vst v63  }
0x88: {  	p2 =	por p3, p2  }
0x89: {  	s8 =	ssub.s32 @!p2 $0x6, s9  }
0x8a: {  	_ =	swait.ge @!p2 [sflag:s8], $0x5000  }
0x8b: {  	[sflag:s8] =	ssyncset.done @!p2 $0x0  }
0x8c: {  	s13 =	sadd.s32 $0x1, s2;
	[sflag:s8] =	ssyncadd.s32 @!p2 $0xFFFFB000  }
0x8d: {  	v1 =	vld.idx.msk [tilespmem:v0+s13+$0x0 ss:$0x1], $0xffff;
	_ =	sdelay $0x4  }
0x8e: {  	(v2sf) =	vpush v1, $0x0;
	_ =	sdelay $0xe  }
0x8f: {  	p2 =	sgt.s32 s2, $0x13F;
	s11 =	spop (v2sf)  }
0x90: {  	p3 =	sle.s32 @!p2 s11, s31  }
0x91: {  	v2 =	vimm.f32 $0.0e+00;
	p3 =	por p2, !p3  }
.Ltmp6:
0x92: {  	v13 =	vimm.f32 $0.0e+00;
	v14 =	vimm.f32 $0.0e+00;
	v6 =	vimm.f32 $0.0e+00;
	(pc) =	sbr.rel @p3 .LBB2_13-.Ltmp6, $4  }
0x93: {  	v4 =	vimm.f32 $0.0e+00;
	v8 =	vimm.f32 $0.0e+00;
	v7 =	vimm.f32 $0.0e+00  }
0x94: {  	v5 =	vimm.f32 $0.0e+00;
	v3 =	vimm.f32 $0.0e+00;
	v15 =	vimm.f32 $0.0e+00  }
0x95: {  	v16 =	vimm.f32 $0.0e+00;
	v11 =	vimm.f32 $0.0e+00;
	v9 =	vimm.f32 $0.0e+00  }
0x96: {  	s25 =	smov.u32 s2;
	v10 =	vimm.f32 $0.0e+00;
	v12 =	vimm.f32 $0.0e+00;
	v1 =	vimm.f32 $0.0e+00  }
.LBB2_5:
0x97: {  	_ =	sdelay $0x3  }
0x98: {  	v17 =	vld.idx.msk [tilespmem:v0+s25+$0x0 ss:$0x1], $0xffff;
	_ =	sdelay $0x4  }
0x99: {  	(v2sf) =	vpush v17, $0x0;
	_ =	sdelay $0xe  }
0x9a: {  	s17 =	spop (v2sf)  }
0x9b: {  	s16 =	smov.u32 s30;
	p2 =	sgt.s32 s17, s30  }
0x9c: {  	s16 =	smov.u32 @p2 s17  }
0x9d: {  	s8 =	ssub.s32 s11, s16  }
0x9e: {  	s2 =	sshrl.u32 s8, $0x1F  }
0x9f: {  	s2 =	sadd.s32 s2, s8  }
0xa0: {  	s9 =	sand.u32 $0xFFFFFFFE, s2  }
0xa1: {  	s10 =	sadd.s32 s16, s9  }
0xa2: {  	p2 =	sge.s32 s16, s10  }
.Ltmp7:
0xa3: {  	_ = 	snop;
	(pc) =	sbr.rel @p2 .LBB2_9-.Ltmp7, $2  }
0xa4: {  	_ =	sdelay $0x2  }
0xa5: {  	s2 =	smov.u32 s13  }
0xa6: {  	p2 =	sgt.s32 s17, s23;
	s13 =	smov.u32 s23  }
0xa7: {  	s13 =	smov.u32 @p2 s17  }
0xa8: {  	s13 =	sshll.u32 s13, $0x9  }
0xa9: {  	s13 =	sshra.s32 s13, $0x2  }
0xaa: {  	s17 =	sadd.s32 s13, s12  }
0xab: {  	v17 =	vld [tilespmem:s17+$0xFFFFFF80]  }
0xac: {  	v18 =	vld [tilespmem:s17+$0xFFFFFF90]  }
0xad: {  	v19 =	vld [tilespmem:s17+$0x0]  }
0xae: {  	v21 =	vld [tilespmem:s17+$0xFFFFFFA0]  }
0xaf: {  	v23 =	vld [tilespmem:s17+$0xFFFFFFB0]  }
0xb0: {  	v24 =	vld [tilespmem:s17+$0x30]  }
0xb1: {  	v25 =	vld [tilespmem:s17+$0xFFFFFFC0]  }
0xb2: {  	v26 =	vld [tilespmem:s17+$0xFFFFFFD0]  }
0xb3: {  	v20 =	vld [tilespmem:s17+$0x10];
	v22 =	vshll.u32 v17, $0x10  }
0xb4: {  	v7 =	vadd.f32 v17, v7;
	v17 =	vshll.u32 v18, $0x10;
	v8 =	vadd.f32 v18, v8  }
0xb5: {  	v18 =	vshll.u32 v21, $0x10;
	v4 =	vadd.f32 v21, v4;
	v12 =	vadd.f32 v22, v12;
	v22 =	vld [tilespmem:s17+$0x20]  }
0xb6: {  	v6 =	vadd.f32 v23, v6;
	v21 =	vshll.u32 v24, $0x10;
	v14 =	vadd.f32 v25, v14  }
0xb7: {  	s13 =	sadd.s32 $0x2, s16;
	v13 =	vadd.f32 v26, v13;
	v10 =	vadd.f32 v17, v10;
	v17 =	vshll.u32 v19, $0x10  }
0xb8: {  	p2 =	slt.s32 s13, s10;
	v8 =	vadd.f32 v20, v8;
	v12 =	vadd.f32 v17, v12;
	v17 =	vshll.u32 v20, $0x10;
	v20 =	vld [tilespmem:s17+$0x40]  }
.Ltmp8:
0xb9: {  	v9 =	vadd.f32 v18, v9;
	v18 =	vld [tilespmem:s17+$0x50];
	v10 =	vadd.f32 v17, v10;
	v17 =	vshll.u32 v23, $0x10;
	(pc) =	sbr.rel @!p2 .LBB2_8-.Ltmp8, $4  }
0xba: {  	v7 =	vadd.f32 v19, v7;
	v11 =	vadd.f32 v17, v11;
	v17 =	vld [tilespmem:s17+$0xFFFFFFE0];
	v19 =	vshll.u32 v22, $0x10  }
0xbb: {  	v4 =	vadd.f32 v22, v4;
	v22 =	vshll.u32 v25, $0x10;
	v9 =	vadd.f32 v19, v9;
	v19 =	vld [tilespmem:s17+$0xFFFFFFF0]  }
0xbc: {  	v11 =	vadd.f32 v21, v11;
	v16 =	vadd.f32 v22, v16;
	v22 =	vshll.u32 v26, $0x10;
	v21 =	vld [tilespmem:s17+$0x60]  }
0xbd: {  	s16 =	sadd.s32 $0x100, s17;
	v6 =	vadd.f32 v24, v6;
	v15 =	vadd.f32 v22, v15;
	v23 =	vshll.u32 v20, $0x10;
	v22 =	vld [tilespmem:s17+$0x70]  }
.LBB2_7:
0xbe: {  	v24 =	vld [tilespmem:s16+$0xFFFFFF80];
	v16 =	vadd.f32 v23, v16;
	v14 =	vadd.f32 v20, v14;
	v20 =	vshll.u32 v18, $0x10  }
0xbf: {  	v23 =	vld [tilespmem:s16+$0xFFFFFF90];
	v25 =	vshll.u32 v17, $0x10;
	v15 =	vadd.f32 v20, v15;
	v13 =	vadd.f32 v18, v13  }
0xc0: {  	v2 =	vadd.f32 v17, v2;
	v18 =	vld [tilespmem:s16+$0x0];
	v3 =	vadd.f32 v25, v3;
	v17 =	vshll.u32 v19, $0x10  }
0xc1: {  	v1 =	vadd.f32 v19, v1;
	v20 =	vld [tilespmem:s16+$0x10];
	v5 =	vadd.f32 v17, v5;
	v17 =	vshll.u32 v21, $0x10  }
0xc2: {  	v2 =	vadd.f32 v21, v2;
	v19 =	vld [tilespmem:s16+$0xFFFFFFA0];
	v3 =	vadd.f32 v17, v3;
	v17 =	vshll.u32 v22, $0x10  }
0xc3: {  	v1 =	vadd.f32 v22, v1;
	v21 =	vshll.u32 v24, $0x10;
	v25 =	vld [tilespmem:s16+$0xFFFFFFB0];
	v5 =	vadd.f32 v17, v5  }
0xc4: {  	v7 =	vadd.f32 v24, v7;
	v12 =	vadd.f32 v21, v12;
	v17 =	vshll.u32 v23, $0x10;
	v21 =	vld [tilespmem:s16+$0x20]  }
0xc5: {  	v8 =	vadd.f32 v23, v8;
	v10 =	vadd.f32 v17, v10;
	v17 =	vshll.u32 v18, $0x10;
	v22 =	vld [tilespmem:s16+$0x30]  }
0xc6: {  	v7 =	vadd.f32 v18, v7;
	v23 =	vld [tilespmem:s16+$0xFFFFFFC0];
	v12 =	vadd.f32 v17, v12;
	v17 =	vshll.u32 v20, $0x10  }
0xc7: {  	s13 =	sadd.s32 $0x2, s13;
	v8 =	vadd.f32 v20, v8;
	v18 =	vshll.u32 v19, $0x10;
	v24 =	vld [tilespmem:s16+$0xFFFFFFD0];
	v10 =	vadd.f32 v17, v10  }
0xc8: {  	p2 =	slt.s32 s13, s10;
	v4 =	vadd.f32 v19, v4;
	v9 =	vadd.f32 v18, v9;
	v17 =	vshll.u32 v25, $0x10;
	v20 =	vld [tilespmem:s16+$0x40]  }
.Ltmp9:
0xc9: {  	v6 =	vadd.f32 v25, v6;
	v11 =	vadd.f32 v17, v11;
	v19 =	vshll.u32 v21, $0x10;
	v18 =	vld [tilespmem:s16+$0x50];
	(pc) =	sbr.rel @p2 .LBB2_7-.Ltmp9, $4  }
0xca: {  	v4 =	vadd.f32 v21, v4;
	v17 =	vld [tilespmem:s16+$0xFFFFFFE0];
	v9 =	vadd.f32 v19, v9;
	v21 =	vshll.u32 v22, $0x10  }
0xcb: {  	v6 =	vadd.f32 v22, v6;
	v25 =	vshll.u32 v23, $0x10;
	v19 =	vld [tilespmem:s16+$0xFFFFFFF0];
	v11 =	vadd.f32 v21, v11  }
0xcc: {  	v14 =	vadd.f32 v23, v14;
	v16 =	vadd.f32 v25, v16;
	v22 =	vshll.u32 v24, $0x10;
	v21 =	vld [tilespmem:s16+$0x60]  }
0xcd: {  	v13 =	vadd.f32 v24, v13;
	v15 =	vadd.f32 v22, v15;
	v23 =	vshll.u32 v20, $0x10;
	v22 =	vld [tilespmem:s16+$0x70];
	s16 =	sadd.s32 $0x100, s16  }
.LBB2_8:
0xce: {  	v16 =	vadd.f32 v23, v16;
	v14 =	vadd.f32 v20, v14;
	v62 =	vshll.u32 v18, $0x10  }
0xcf: {  	v63 =	vshll.u32 v17, $0x10;
	v15 =	vadd.f32 v62, v15;
	v13 =	vadd.f32 v18, v13  }
0xd0: {  	v2 =	vadd.f32 v17, v2;
	v3 =	vadd.f32 v63, v3;
	v17 =	vshll.u32 v19, $0x10  }
0xd1: {  	v1 =	vadd.f32 v19, v1;
	v5 =	vadd.f32 v17, v5;
	v17 =	vshll.u32 v21, $0x10  }
0xd2: {  	v2 =	vadd.f32 v21, v2;
	v3 =	vadd.f32 v17, v3;
	v17 =	vshll.u32 v22, $0x10  }
0xd3: {  	v1 =	vadd.f32 v22, v1;
	v5 =	vadd.f32 v17, v5  }
.LBB2_9:
0xd4: {  	p2 =	sge.s32 s10, s11  }
.Ltmp10:
0xd5: {  	_ = 	snop;
	(pc) =	sbr.rel @p2 .LBB2_12-.Ltmp10, $1  }
0xd6: {  	_ =	sdelay $0x3  }
0xd7: {  	s8 =	ssub.s32 s8, s9;
	s17 =	sadd.s32 s11, s0  }
0xd8: {  	s9 =	ssub.s32 s17, s8  }
0xd9: {  	s9 =	sshll.u32 s9, $0x9  }
0xda: {  	s9 =	sshra.s32 s9, $0x2  }
0xdb: {  	s9 =	sadd.s32 s9, s15  }
.LBB2_11:
0xdc: {  	v17 =	vld [tilespmem:s9+$0xFFFFFFC0]  }
0xdd: {  	v18 =	vld [tilespmem:s9+$0xFFFFFFD0]  }
0xde: {  	v19 =	vld [tilespmem:s9+$0xFFFFFFE0]  }
0xdf: {  	v20 =	vld [tilespmem:s9+$0xFFFFFFF0]  }
0xe0: {  	v21 =	vld [tilespmem:s9+$0x0]  }
0xe1: {  	v23 =	vld [tilespmem:s9+$0x10];
	v22 =	vshll.u32 v17, $0x10  }
0xe2: {  	v63 =	vld [tilespmem:s9+$0x20];
	v7 =	vadd.f32 v17, v7;
	v17 =	vshll.u32 v18, $0x10;
	v8 =	vadd.f32 v18, v8  }
0xe3: {  	v18 =	vld [tilespmem:s9+$0x30];
	v4 =	vadd.f32 v19, v4;
	v10 =	vadd.f32 v17, v10;
	v17 =	vshll.u32 v19, $0x10  }
0xe4: {  	p2 =	sne.s32 s8, $0x1;
	v6 =	vadd.f32 v20, v6;
	v9 =	vadd.f32 v17, v9;
	v17 =	vshll.u32 v20, $0x10  }
.Ltmp11:
0xe5: {  	v14 =	vadd.f32 v21, v14;
	v11 =	vadd.f32 v17, v11;
	v17 =	vshll.u32 v21, $0x10;
	(pc) =	sbr.rel @p2 .LBB2_11-.Ltmp11, $4  }
0xe6: {  	v13 =	vadd.f32 v23, v13;
	v16 =	vadd.f32 v17, v16;
	v17 =	vshll.u32 v23, $0x10  }
0xe7: {  	v2 =	vadd.f32 v63, v2;
	v15 =	vadd.f32 v17, v15;
	v17 =	vshll.u32 v63, $0x10  }
0xe8: {  	v12 =	vadd.f32 v22, v12;
	v3 =	vadd.f32 v17, v3;
	v17 =	vshll.u32 v18, $0x10  }
0xe9: {  	s8 =	sadd.s32 $0xFFFFFFFF, s8;
	s9 =	sadd.s32 $0x80, s9;
	v1 =	vadd.f32 v18, v1;
	v5 =	vadd.f32 v17, v5  }
.Ltmp12:
0xea: {  	_ = 	snop;
	(pc) =	sbr.rel .LBB2_12-.Ltmp12, $1  }
0xeb: {  	_ =	sdelay $0x3  }
.LBB2_13:
0xec: {  	v12 =	vpsel p2, $0x0, v1  }
.Ltmp13:
0xed: {  	v10 =	vpsel p2, $0x0, v1;
	v9 =	vpsel p2, $0x0, v1;
	v11 =	vpsel p2, $0x0, v1;
	(pc) =	sbr.rel .LBB2_14-.Ltmp13, $4  }
0xee: {  	v16 =	vpsel p2, $0x0, v1;
	v15 =	vpsel p2, $0x0, v1;
	v3 =	vpsel p2, $0x0, v1  }
0xef: {  	v5 =	vpsel p2, $0x0, v1;
	v7 =	vpsel p2, $0x0, v1;
	v8 =	vpsel p2, $0x0, v1  }
0xf0: {  	p3 =	slt.s32 s2, $0x140;
	v4 =	vpsel p2, $0x0, v1;
	v6 =	vpsel p2, $0x0, v1;
	s2 =	smov.u32 @p2 s2;
	v14 =	vpsel p2, $0x0, v1  }
0xf1: {  	v13 =	vpsel p2, $0x0, v1;
	v2 =	vpsel p2, $0x0, v1;
	v1 =	vpsel p2, $0x0, v1;
	p3 =	por @!p2 p3, p3;
	s25 =	smov.u32 s2  }
.LBB2_3:
0xf2: {  	v12 =	vpsel p2, v12, v12  }
0xf3: {  	v10 =	vpsel p2, v10, v10;
	v9 =	vpsel p2, v9, v9;
	v11 =	vpsel p2, v11, v11  }
0xf4: {  	v16 =	vpsel p2, v16, v16;
	v15 =	vpsel p2, v15, v15;
	v3 =	vpsel p2, v3, v3  }
0xf5: {  	v5 =	vpsel p2, v5, v5;
	v7 =	vpsel p2, v7, v7;
	v8 =	vpsel p2, v8, v8  }
0xf6: {  	p3 =	slt.s32 s25, $0x140;
	v4 =	vpsel p2, v4, v4;
	v6 =	vpsel p2, v6, v6;
	v14 =	vpsel p2, v14, v14  }
0xf7: {  	s25 =	smov.u32 @p2 s25;
	v13 =	vpsel p2, v13, v13;
	v2 =	vpsel p2, v2, v2;
	v1 =	vpsel p2, v1, v1;
	p3 =	por @!p2 p3, p3  }
.LBB2_14:
0xf8: {  	_ =	sdelay $0x1  }
0xf9: {  	p2 =	slt.s32 s25, $0x13F;
	s0 =	smov.u32 s25  }
0xfa: {  	s0 =	simm.s32 @!p2 $0x13F  }
0xfb: {  	v17 =	vld.idx.msk [tilespmem:v0+s0+$0x0 ss:$0x1], $0xffff  }
0xfc: {  	v18 =	vld.idx.msk [tilespmem:v0+s0+$0x1 ss:$0x1], $0xffff;
	_ =	sdelay $0x3  }
0xfd: {  	(v2sf) =	vpush v17, $0x0  }
0xfe: {  	(v2sf) =	vpush v18, $0x0;
	_ =	sdelay $0xd  }
0xff: {  	s11 =	spop (v2sf)  }
0x100: {  	p2 =	sgt.s32 s11, s30;
	s0 =	spop (v2sf)  }
0x101: {  	s30 =	smov.u32 @p2 s11;
	p2 =	slt.s32 s0, s31  }
0x102: {  	s31 =	smov.u32 @p2 s0;
	s0 =	smov.u32 s30  }
0x103: {  	s0 =	smov.u32 @p3 s31  }
0x104: {  	p2 =	slt.s32 s30, s0;
	s10 =	smov.u32 s0  }
0x105: {  	s10 =	smov.u32 @p2 s30  }
0x106: {  	s2 =	ssub.s32 s0, s10  }
0x107: {  	s8 =	sshrl.u32 s2, $0x1F  }
0x108: {  	s8 =	sadd.s32 s8, s2  }
0x109: {  	s8 =	sand.u32 $0xFFFFFFFE, s8  }
0x10a: {  	s9 =	sadd.s32 s10, s8  }
0x10b: {  	p2 =	sge.s32 s10, s9  }
.Ltmp14:
0x10c: {  	_ = 	snop;
	(pc) =	sbr.rel @p2 .LBB2_18-.Ltmp14, $1  }
0x10d: {  	_ =	sdelay $0x3  }
0x10e: {  	p2 =	sgt.s32 s11, s23;
	s12 =	smov.u32 s23  }
0x10f: {  	s12 =	smov.u32 @p2 s11  }
0x110: {  	p2 =	slt.s32 s0, s12  }
0x111: {  	s12 =	smov.u32 @p2 s0  }
0x112: {  	s31 =	sshll.u32 s12, $0x9  }
0x113: {  	s11 =	sadd.s32 s31, s28  }
0x114: {  	s11 =	ssub.s32 s11, s29  }
0x115: {  	s11 =	sshra.s32 s11, $0x2  }
0x116: {  	s11 =	sadd.s32 $0x400, s11  }
0x117: {  	v17 =	vld [tilespmem:s11+$0xFFFFFF80]  }
0x118: {  	v18 =	vld [tilespmem:s11+$0xFFFFFF90]  }
0x119: {  	v19 =	vld [tilespmem:s11+$0x0]  }
0x11a: {  	v21 =	vld [tilespmem:s11+$0xFFFFFFA0]  }
0x11b: {  	v23 =	vld [tilespmem:s11+$0xFFFFFFB0]  }
0x11c: {  	v24 =	vld [tilespmem:s11+$0x30]  }
0x11d: {  	v25 =	vld [tilespmem:s11+$0xFFFFFFC0]  }
0x11e: {  	v26 =	vld [tilespmem:s11+$0xFFFFFFD0]  }
0x11f: {  	v20 =	vld [tilespmem:s11+$0x10];
	v22 =	vshll.u32 v17, $0x10  }
0x120: {  	v7 =	vadd.f32 v17, v7;
	v17 =	vshll.u32 v18, $0x10;
	v8 =	vadd.f32 v18, v8  }
0x121: {  	v18 =	vshll.u32 v21, $0x10;
	v4 =	vadd.f32 v21, v4;
	v12 =	vadd.f32 v22, v12;
	v22 =	vld [tilespmem:s11+$0x20]  }
0x122: {  	v6 =	vadd.f32 v23, v6;
	v21 =	vshll.u32 v24, $0x10;
	v14 =	vadd.f32 v25, v14  }
0x123: {  	s10 =	sadd.s32 $0x2, s10;
	v13 =	vadd.f32 v26, v13;
	v10 =	vadd.f32 v17, v10;
	v17 =	vshll.u32 v19, $0x10  }
0x124: {  	p2 =	slt.s32 s10, s9;
	v8 =	vadd.f32 v20, v8;
	v12 =	vadd.f32 v17, v12;
	v17 =	vshll.u32 v20, $0x10;
	v20 =	vld [tilespmem:s11+$0x40]  }
.Ltmp15:
0x125: {  	v9 =	vadd.f32 v18, v9;
	v18 =	vld [tilespmem:s11+$0x50];
	v10 =	vadd.f32 v17, v10;
	v17 =	vshll.u32 v23, $0x10;
	(pc) =	sbr.rel @!p2 .LBB2_17-.Ltmp15, $4  }
0x126: {  	v7 =	vadd.f32 v19, v7;
	v11 =	vadd.f32 v17, v11;
	v17 =	vld [tilespmem:s11+$0xFFFFFFE0];
	v19 =	vshll.u32 v22, $0x10  }
0x127: {  	v4 =	vadd.f32 v22, v4;
	v22 =	vshll.u32 v25, $0x10;
	v9 =	vadd.f32 v19, v9;
	v19 =	vld [tilespmem:s11+$0xFFFFFFF0]  }
0x128: {  	v11 =	vadd.f32 v21, v11;
	v16 =	vadd.f32 v22, v16;
	v22 =	vshll.u32 v26, $0x10;
	v21 =	vld [tilespmem:s11+$0x60]  }
0x129: {  	v6 =	vadd.f32 v24, v6;
	v15 =	vadd.f32 v22, v15;
	v23 =	vshll.u32 v20, $0x10;
	v22 =	vld [tilespmem:s11+$0x70];
	s11 =	sadd.s32 $0x100, s11  }
.LBB2_16:
0x12a: {  	v24 =	vld [tilespmem:s11+$0xFFFFFF80];
	v16 =	vadd.f32 v23, v16;
	v14 =	vadd.f32 v20, v14;
	v20 =	vshll.u32 v18, $0x10  }
0x12b: {  	v23 =	vld [tilespmem:s11+$0xFFFFFF90];
	v25 =	vshll.u32 v17, $0x10;
	v15 =	vadd.f32 v20, v15;
	v13 =	vadd.f32 v18, v13  }
0x12c: {  	v2 =	vadd.f32 v17, v2;
	v18 =	vld [tilespmem:s11+$0x0];
	v3 =	vadd.f32 v25, v3;
	v17 =	vshll.u32 v19, $0x10  }
0x12d: {  	v1 =	vadd.f32 v19, v1;
	v20 =	vld [tilespmem:s11+$0x10];
	v5 =	vadd.f32 v17, v5;
	v17 =	vshll.u32 v21, $0x10  }
0x12e: {  	v2 =	vadd.f32 v21, v2;
	v19 =	vld [tilespmem:s11+$0xFFFFFFA0];
	v3 =	vadd.f32 v17, v3;
	v17 =	vshll.u32 v22, $0x10  }
0x12f: {  	v1 =	vadd.f32 v22, v1;
	v21 =	vshll.u32 v24, $0x10;
	v25 =	vld [tilespmem:s11+$0xFFFFFFB0];
	v5 =	vadd.f32 v17, v5  }
0x130: {  	v7 =	vadd.f32 v24, v7;
	v12 =	vadd.f32 v21, v12;
	v17 =	vshll.u32 v23, $0x10;
	v21 =	vld [tilespmem:s11+$0x20]  }
0x131: {  	v8 =	vadd.f32 v23, v8;
	v10 =	vadd.f32 v17, v10;
	v17 =	vshll.u32 v18, $0x10;
	v22 =	vld [tilespmem:s11+$0x30]  }
0x132: {  	v7 =	vadd.f32 v18, v7;
	v23 =	vld [tilespmem:s11+$0xFFFFFFC0];
	v12 =	vadd.f32 v17, v12;
	v17 =	vshll.u32 v20, $0x10  }
0x133: {  	s10 =	sadd.s32 $0x2, s10;
	v8 =	vadd.f32 v20, v8;
	v18 =	vshll.u32 v19, $0x10;
	v24 =	vld [tilespmem:s11+$0xFFFFFFD0];
	v10 =	vadd.f32 v17, v10  }
0x134: {  	p2 =	slt.s32 s10, s9;
	v4 =	vadd.f32 v19, v4;
	v9 =	vadd.f32 v18, v9;
	v17 =	vshll.u32 v25, $0x10;
	v20 =	vld [tilespmem:s11+$0x40]  }
.Ltmp16:
0x135: {  	v6 =	vadd.f32 v25, v6;
	v11 =	vadd.f32 v17, v11;
	v19 =	vshll.u32 v21, $0x10;
	v18 =	vld [tilespmem:s11+$0x50];
	(pc) =	sbr.rel @p2 .LBB2_16-.Ltmp16, $4  }
0x136: {  	v4 =	vadd.f32 v21, v4;
	v17 =	vld [tilespmem:s11+$0xFFFFFFE0];
	v9 =	vadd.f32 v19, v9;
	v21 =	vshll.u32 v22, $0x10  }
0x137: {  	v6 =	vadd.f32 v22, v6;
	v25 =	vshll.u32 v23, $0x10;
	v19 =	vld [tilespmem:s11+$0xFFFFFFF0];
	v11 =	vadd.f32 v21, v11  }
0x138: {  	v14 =	vadd.f32 v23, v14;
	v16 =	vadd.f32 v25, v16;
	v22 =	vshll.u32 v24, $0x10;
	v21 =	vld [tilespmem:s11+$0x60]  }
0x139: {  	v13 =	vadd.f32 v24, v13;
	v15 =	vadd.f32 v22, v15;
	v23 =	vshll.u32 v20, $0x10;
	v22 =	vld [tilespmem:s11+$0x70];
	s11 =	sadd.s32 $0x100, s11  }
.LBB2_17:
0x13a: {  	v16 =	vadd.f32 v23, v16;
	v14 =	vadd.f32 v20, v14;
	v62 =	vshll.u32 v18, $0x10  }
0x13b: {  	v63 =	vshll.u32 v17, $0x10;
	v15 =	vadd.f32 v62, v15;
	v2 =	vadd.f32 v17, v2  }
0x13c: {  	v3 =	vadd.f32 v63, v3;
	v17 =	vshll.u32 v19, $0x10;
	v1 =	vadd.f32 v19, v1  }
0x13d: {  	v13 =	vadd.f32 v18, v13;
	v5 =	vadd.f32 v17, v5;
	v17 =	vshll.u32 v21, $0x10  }
0x13e: {  	v3 =	vadd.f32 v17, v3;
	v17 =	vshll.u32 v22, $0x10;
	v1 =	vadd.f32 v22, v1  }
0x13f: {  	v2 =	vadd.f32 v21, v2;
	v5 =	vadd.f32 v17, v5  }
.LBB2_18:
0x140: {  	p2 =	sge.s32 s9, s0  }
.Ltmp17:
0x141: {  	_ = 	snop;
	(pc) =	sbr.rel @p2 .LBB2_21-.Ltmp17, $1  }
0x142: {  	_ =	sdelay $0x3  }
0x143: {  	s2 =	ssub.s32 s2, s8  }
0x144: {  	s0 =	ssub.s32 s0, s2  }
0x145: {  	s0 =	ssub.s32 s0, s26  }
0x146: {  	s0 =	sshll.u32 s0, $0x9  }
0x147: {  	s0 =	sadd.s32 s0, s28  }
0x148: {  	s0 =	sshra.s32 s0, $0x2  }
0x149: {  	s0 =	sadd.s32 $0x3C0, s0  }
.LBB2_20:
0x14a: {  	v17 =	vld [tilespmem:s0+$0xFFFFFFC0]  }
0x14b: {  	v18 =	vld [tilespmem:s0+$0xFFFFFFD0]  }
0x14c: {  	v19 =	vld [tilespmem:s0+$0xFFFFFFE0]  }
0x14d: {  	v20 =	vld [tilespmem:s0+$0xFFFFFFF0]  }
0x14e: {  	v21 =	vld [tilespmem:s0+$0x0]  }
0x14f: {  	v23 =	vld [tilespmem:s0+$0x10];
	v22 =	vshll.u32 v17, $0x10  }
0x150: {  	v63 =	vld [tilespmem:s0+$0x20];
	v7 =	vadd.f32 v17, v7;
	v17 =	vshll.u32 v18, $0x10;
	v8 =	vadd.f32 v18, v8  }
0x151: {  	v18 =	vld [tilespmem:s0+$0x30];
	v4 =	vadd.f32 v19, v4;
	v10 =	vadd.f32 v17, v10;
	v17 =	vshll.u32 v19, $0x10  }
0x152: {  	p2 =	sne.s32 s2, $0x1;
	v6 =	vadd.f32 v20, v6;
	v9 =	vadd.f32 v17, v9;
	v17 =	vshll.u32 v20, $0x10  }
.Ltmp18:
0x153: {  	v14 =	vadd.f32 v21, v14;
	v11 =	vadd.f32 v17, v11;
	v17 =	vshll.u32 v21, $0x10;
	(pc) =	sbr.rel @p2 .LBB2_20-.Ltmp18, $4  }
0x154: {  	v13 =	vadd.f32 v23, v13;
	v16 =	vadd.f32 v17, v16;
	v17 =	vshll.u32 v23, $0x10  }
0x155: {  	v2 =	vadd.f32 v63, v2;
	v15 =	vadd.f32 v17, v15;
	v17 =	vshll.u32 v63, $0x10  }
0x156: {  	v12 =	vadd.f32 v22, v12;
	v3 =	vadd.f32 v17, v3;
	v17 =	vshll.u32 v18, $0x10  }
0x157: {  	s2 =	sadd.s32 $0xFFFFFFFF, s2;
	s0 =	sadd.s32 $0x80, s0;
	v1 =	vadd.f32 v18, v1;
	v5 =	vadd.f32 v17, v5  }
.Ltmp19:
0x158: {  	_ = 	snop;
	(pc) =	sbr.rel .LBB2_21-.Ltmp19, $1  }
0x159: {  	_ =	sdelay $0x3  }
.LBB2_22:
0x15a: {  	s0 =	simm.s32 $0x1  }
0x15b: {  	p1 =	sgt.s32 s25, $0x13F;
	_ =	swait.ge [sflag:s0], $0x8000  }
.Ltmp20:
0x15c: {  	[sflag:s0] =	ssyncset.done $0x0;
	(pc) =	sbr.rel @p1 .LBB2_26-.Ltmp20, $4  }
0x15d: {  	s31 =	simm.s32 $0x4;
	[sflag:s0] =	ssyncadd.s32 $0xFFFF8000  }
0x15e: {  	_ =	swait.ge [sflag:s31], $0x100  }
0x15f: {  	[sflag:s31] =	ssyncset.done $0x0  }
0x160: {  	[sflag:s31] =	ssyncadd.s32 $0xFFFFFF00  }
0x161: {  	s0 =	sadd.s32 $0xFFFFFFB1, s25  }
0x162: {  	s11 =	sadd.s32 $0x4F, s0  }
0x163: {  	s2 =	smulhi.u32 $0x66666667, s11;
	s8 =	sshra.s32 s11, $0x1F  }
0x164: {  	s8 =	smul.u32 $0x66666667, s8;
	_ =	sdelay $0x1  }
0x165: {  	s2 =	sadd.s32 s8, s2  }
0x166: {  	s8 =	sshrl.u32 s2, $0x1F;
	s2 =	sshra.s32 s2, $0x5  }
0x167: {  	s8 =	sadd.s32 s8, s2  }
0x168: {  	s2 =	sshrl.u32 s8, $0x1F  }
0x169: {  	s2 =	sadd.s32 s2, s8  }
0x16a: {  	s2 =	sand.u32 $0xFFFFFFFE, s2  }
0x16b: {  	s10 =	smul.u32 $0xFFFFB000, s8;
	s9 =	ssub.s32 s8, s2  }
0x16c: {  	s20 =	sadd.s32 $0x1, s0;
	s2 =	smul.u32 $0x14000, s9  }
0x16d: {  	s12 =	sshll.u32 s25, $0x8;
	p1 =	sne.s32 s20, $0xF1  }
.Ltmp21:
0x16e: {  	s10 =	sadd.s32 s10, s12;
	s2 =	sshra.s32 s2, $0x2;
	(pc) =	sbr.rel @!p1 .LBB2_25-.Ltmp21, $4  }
0x16f: {  	s15 =	sshll.u32 s25, $0x7;
	s10 =	sand.u32 $0xFFFFF800, s10;
	s2 =	sadd.s32 $0x10380, s2  }
0x170: {  	v29 =	vmovc v2;
	v27 =	vmov v13;
	v28 =	vmov v14;
	v26 =	vmov v6;
	s13 =	sand.u32 $0x380, s15;
	s10 =	sadd.s32 s10, s2  }
0x171: {  	v25 =	vmovc v4;
	v24 =	vmovc v8;
	v23 =	vmov v7;
	v22 =	vmov v5;
	v21 =	vmov v3;
	s10 =	sadd.s32 s13, s10  }
0x172: {  	v20 =	vmovc v15;
	v19 =	vmovc v16;
	v18 =	vmov v11;
	v17 =	vmov v9;
	[tilespmem:s10+$0x0] =	vst v12;
	v12 =	vmov v10  }
.LBB2_24:
0x173: {  	s13 =	sadd.s32 $0x4F, s20;
	[tilespmem:s10+$0x470] =	vst v1;
	s16 =	smov.u32 s0;
	s0 =	smov.u32 s20  }
0x174: {  	s17 =	smulhi.u32 $0x66666667, s13;
	s21 =	sshra.s32 s13, $0x1F;
	[tilespmem:s10+$0x460] =	vst v29  }
0x175: {  	s21 =	smul.u32 $0x66666667, s21;
	[tilespmem:s10+$0x450] =	vst v27  }
0x176: {  	[tilespmem:s10+$0x440] =	vst v28  }
0x177: {  	s17 =	sadd.s32 s21, s17;
	[tilespmem:s10+$0x430] =	vst v26  }
0x178: {  	s21 =	sshrl.u32 s17, $0x1F;
	s17 =	sshra.s32 s17, $0x5;
	[tilespmem:s10+$0x420] =	vst v25  }
0x179: {  	s22 =	smul.u32 $0x50, s8;
	s17 =	sadd.s32 s21, s17;
	[tilespmem:s10+$0x410] =	vst v24  }
0x17a: {  	s15 =	sadd.s32 $0x80, s15;
	s21 =	sshrl.u32 s17, $0x1F;
	[tilespmem:s10+$0x400] =	vst v23;
	s8 =	smov.u32 s17  }
0x17b: {  	s12 =	sadd.s32 $0x100, s12;
	s17 =	sadd.s32 s21, s8;
	s21 =	smul.u32 $0xFFFFB000, s8;
	[tilespmem:s10+$0x70] =	vst v22  }
0x17c: {  	s20 =	sadd.s32 $0x1, s20;
	p1 =	sne.s32 s22, s16;
	s17 =	sand.u32 $0xFFFFFFFE, s17;
	[tilespmem:s10+$0x60] =	vst v21  }
0x17d: {  	s16 =	ssub.s32 s8, s17;
	s17 =	sadd.s32 s21, s12;
	[tilespmem:s10+$0x50] =	vst v20;
	s21 =	simm.s32 @!p1 $0x0  }
0x17e: {  	v1 =	vimm.f32 $0.0e+00;
	v2 =	vimm.f32 $0.0e+00;
	s22 =	sadd.s32 @!p1 s6, s22;
	p2 =	slt.s32 @!p1 s11, $0x50;
	s23 =	smul.u32 $0x14000, s16;
	[tilespmem:s10+$0x40] =	vst v19  }
0x17f: {  	v13 =	vimm.f32 $0.0e+00;
	v14 =	vimm.f32 $0.0e+00;
	v6 =	vimm.f32 $0.0e+00;
	s11 =	sadd.s32 @!p1 $0x5, s9;
	s22 =	sshll.u32 @!p1 s22, $0x5;
	p2 =	por p2, p1;
	[tilespmem:s10+$0x30] =	vst v18  }
0x180: {  	v4 =	vimm.f32 $0.0e+00;
	v8 =	vimm.f32 $0.0e+00;
	v7 =	vimm.f32 $0.0e+00;
	s22 =	sadd.s32 @!p1 s4, s22;
	s9 =	ssub.s32 @!p2 $0x6, s9;
	s23 =	sshra.s32 s23, $0x2;
	[tilespmem:s10+$0x20] =	vst v17  }
0x181: {  	v5 =	vimm.f32 $0.0e+00;
	v3 =	vimm.f32 $0.0e+00;
	v15 =	vimm.f32 $0.0e+00;
	[tilespmem:s10+$0x10] =	vst v12;
	[hbm4b:s22+s21] =	stream.linear.scatter @!p1 [tilespmem:s2], [sflag:s11], $0x5000, $0x38  }
0x182: {  	v16 =	vimm.f32 $0.0e+00;
	v11 =	vimm.f32 $0.0e+00;
	v9 =	vimm.f32 $0.0e+00;
	p1 =	sne.s32 s20, $0xF1  }
.Ltmp22:
0x183: {  	v10 =	vimm.f32 $0.0e+00;
	v29 =	vimm.f32 $0.0e+00;
	v27 =	vimm.f32 $0.0e+00;
	(pc) =	sbr.rel @p1 .LBB2_24-.Ltmp22, $4  }
0x184: {  	v28 =	vimm.f32 $0.0e+00;
	v26 =	vimm.f32 $0.0e+00;
	v25 =	vimm.f32 $0.0e+00;
	s10 =	sand.u32 $0xFFFFF800, s17;
	s2 =	sadd.s32 $0x10380, s23;
	_ =	swait.ge @!p2 [sflag:s9], $0x5000  }
0x185: {  	v24 =	vimm.f32 $0.0e+00;
	v23 =	vimm.f32 $0.0e+00;
	v22 =	vimm.f32 $0.0e+00;
	s11 =	sand.u32 $0x380, s15;
	s10 =	sadd.s32 s10, s2;
	[sflag:s9] =	ssyncset.done @!p2 $0x0  }
0x186: {  	v21 =	vimm.f32 $0.0e+00;
	v20 =	vimm.f32 $0.0e+00;
	v19 =	vimm.f32 $0.0e+00;
	s10 =	sadd.s32 s11, s10;
	[sflag:s9] =	ssyncadd.s32 @!p2 $0xFFFFB000  }
0x187: {  	v18 =	vimm.f32 $0.0e+00;
	v17 =	vimm.f32 $0.0e+00;
	v12 =	vimm.f32 $0.0e+00;
	s11 =	smov.u32 s13;
	s9 =	smov.u32 s16;
	[tilespmem:s10+$0x0] =	vst v1  }
.Ltmp23:
0x188: {  	_ = 	snop;
	(pc) =	sbr.rel .LBB2_25-.Ltmp23, $1  }
0x189: {  	_ =	sdelay $0x3  }
.LBB2_27:
0x18a: {  	_ =	sfence.sel $0x180000  }
0x18b: {  	[bflag:$0x0] =	sbarrier.arrive $0xFFFF  }
0x18c: {  	_ =	strace $0x90000047  }
0x18d: {  	s0 =	stileid.u32;
	[bflag:$0x2] =	sbarrier.arrive $0xFFFF  }
0x18e: {  	p0 =	sne.s32 s0, $0x0;
	s0 =	rddreg [dreg:$0x4]  }
0x18f: {  	s0 =	sadd.s32 @!p0 $0x100000, s0  }
0x190: {  	[sflag:s0] =	ssyncadd.tile.s32 @!p0 $0x1;
	_ =	shalt  }
.Lfunc_end2:
_tile_overlayer_lowered:
.L_overlay_start_2:
0x191: {  	(tag) =	ssettag $0x2  }
0x192: {  	s0 =	rddreg [dreg:$0x0];
	s2 =	stileid.u32  }
0x193: {  	s1 =	rddreg [dreg:$0x1];
	p0 =	sne.s32 s2, $0x0  }
0x194: {  	s3 =	rddreg [dreg:$0x2];
	[bflag:$0x3] =	sbarrier.arrive $0xFFFF;
	s2 =	simm.s32 @!p0 $0x1C07  }
0x195: {  	[timem:s3], [sflag:s2] =	dma.local @!p0 [hbm:s0], s1  }
0x196: {  	s0 =	simm.s32 @!p0 $0x7  }
0x197: {  	_ =	swait.ge @!p0 [sflag:s0], s1  }
0x198: {  	s1 =	ssub.s32 @!p0 $0x0, s1;
	[sflag:s0] =	ssyncset.done @!p0 $0x0  }
0x199: {  	[sflag:s0] =	ssyncadd.s32 @!p0 s1  }
0x19a: {  	[bflag:$0x3] =	sbarrier.arrive $0xFFFF  }
0x19b: {  	_ =	shalt  }

</sc_bundles>
